<compile_context>
chip_gen: v7x
topology: tpu7x:2x2x1
jax: 0.10.2.dev20260603
libtpu: 0.0.44.dev20260713+nightly
codegen_flags: <defaults>
</compile_context>

<pallas_src>
import functools

import jax
import jax.numpy as jnp
from jax import lax
from jax.experimental import pallas as pl
from jax.experimental.pallas import tpu as pltpu
from jax.experimental.pallas import tpu_sc as plsc

N_NODES = 10000
N_EDGES = 320000
D = 128

NC, NS = 2, 16
NW = NC * NS
BLK = 128

K_AGG = 80
E_PAD = NW * K_AGG * BLK
K_DEG = E_PAD // (NS * BLK)

N_PAD = 10112
ROWS_PER_TILE = N_PAD // NS

_MESH = plsc.VectorSubcoreMesh(core_axis_name="c", subcore_axis_name="s")


@functools.partial(
    pl.kernel,
    out_type=jax.ShapeDtypeStruct((NC, N_PAD, D), jnp.float32),
    mesh=_MESH,
    scratch_types=[
        pltpu.VMEM((K_DEG, BLK), jnp.int32),
        pltpu.VMEM((BLK, D), jnp.float32),
        pltpu.VMEM_SHARED((N_PAD, D), jnp.float32),
    ],
)
def _degree_kernel(edges_hbm, zc_hbm, ones_hbm, out_hbm, idx_v, ones_v, cnt_sh):
    c = lax.axis_index("c")
    s = lax.axis_index("s")
    pltpu.sync_copy(zc_hbm, cnt_sh.at[pl.ds(s * ROWS_PER_TILE, ROWS_PER_TILE)])
    pltpu.sync_copy(ones_hbm, ones_v)
    pltpu.sync_copy(edges_hbm.at[c, s], idx_v)
    plsc.subcore_barrier()

    def blk(j, carry):
        pltpu.sync_copy(ones_v, cnt_sh.at[idx_v.at[j]], add=True)
        return carry

    lax.fori_loop(0, K_DEG, blk, 0)
    plsc.subcore_barrier()
    sl = pl.ds(s * ROWS_PER_TILE, ROWS_PER_TILE)
    pltpu.sync_copy(cnt_sh.at[sl], out_hbm.at[c, sl])


BLK2 = 64
K_TILE = E_PAD // (NW * BLK2)
KC = 40
RING = 4


@functools.partial(
    pl.kernel,
    out_type=jax.ShapeDtypeStruct((NC, N_PAD, D), jnp.float32),
    mesh=_MESH,
    scratch_types=[
        pltpu.VMEM((KC, BLK2), jnp.int32),
        pltpu.VMEM((KC, BLK2), jnp.int32),
        pltpu.VMEM((RING, BLK2, D), jnp.float32),
        pltpu.VMEM_SHARED((N_PAD, D), jnp.float32),
        [pltpu.SemaphoreType.DMA] * RING,
    ],
)
def _aggregate_kernel(xws_hbm, src_hbm, dst_hbm, zr_hbm, out_hbm,
                      src_v, dst_v, rows_v, agg_sh, sems):
    c = lax.axis_index("c")
    s = lax.axis_index("s")
    pltpu.sync_copy(zr_hbm, agg_sh.at[pl.ds(s * ROWS_PER_TILE, ROWS_PER_TILE)])
    plsc.subcore_barrier()

    wid = s * NC + c
    start = wid * K_TILE

    def chunk(ci, carry):
        cbase = start + ci * KC
        pltpu.sync_copy(src_hbm.at[pl.ds(cbase, KC)], src_v)
        pltpu.sync_copy(dst_hbm.at[pl.ds(cbase, KC)], dst_v)
        for r in range(RING - 1):
            pltpu.async_copy(xws_hbm.at[src_v.at[r]], rows_v.at[r], sems[r])

        def group(i, carry2):
            j0 = RING * i
            for r in range(RING):
                j = j0 + r
                pltpu.make_async_copy(
                    xws_hbm.at[src_v.at[j]], rows_v.at[r], sems[r]).wait()
                rp = (r + RING - 1) % RING

                @pl.when(j + RING - 1 < KC)
                def _():
                    pltpu.async_copy(
                        xws_hbm.at[src_v.at[j + RING - 1]],
                        rows_v.at[rp], sems[rp])

                pltpu.sync_copy(rows_v.at[r], agg_sh.at[dst_v.at[j]],
                                add=True)
            return carry2

        lax.fori_loop(0, KC // RING, group, 0)
        return carry

    lax.fori_loop(0, K_TILE // KC, chunk, 0)

    plsc.subcore_barrier()
    sl = pl.ds(s * ROWS_PER_TILE, ROWS_PER_TILE)
    pltpu.sync_copy(agg_sh.at[sl], out_hbm.at[c, sl])


_ROWS_TC = 1000
_GRID = N_NODES // _ROWS_TC


def _norm(col):
    return lax.rsqrt(jnp.maximum(col, 1.0))


def _pre_body(dc_ref, h_ref, w_ref, o_ref):
    ns = _norm(dc_ref[0, :, 0:1])
    o_ref[...] = jnp.dot(h_ref[...] * ns, w_ref[...],
                         preferred_element_type=jnp.float32)


def _mid_body(dc_ref, agg_ref, b1_ref, w2_ref, o_ref):
    nd = _norm(dc_ref[1, :, 0:1])
    ns = _norm(dc_ref[0, :, 0:1])
    h1 = agg_ref[0] + agg_ref[1]
    h1 = h1 * nd + b1_ref[...]
    h1 = jnp.where(h1 > 0, h1, jnp.exp(jnp.minimum(h1, 0.0)) - 1.0)
    o_ref[...] = jnp.dot(h1 * ns, w2_ref[...],
                         preferred_element_type=jnp.float32)


def _post_body(dc_ref, agg_ref, b2_ref, o_ref):
    nd = _norm(dc_ref[1, :, 0:1])
    o_ref[...] = (agg_ref[0] + agg_ref[1]) * nd + b2_ref[...]


_dc_spec = pl.BlockSpec((NC, _ROWS_TC, D), lambda i: (0, i, 0))
_row_spec = pl.BlockSpec((_ROWS_TC, D), lambda i: (i, 0))
_agg_spec = pl.BlockSpec((NC, _ROWS_TC, D), lambda i: (0, i, 0))
_w_spec = pl.BlockSpec((D, D), lambda i: (0, 0))
_b_spec = pl.BlockSpec((1, D), lambda i: (0, 0))
_out_shape = jax.ShapeDtypeStruct((N_NODES, D), jnp.float32)

_pre = pl.pallas_call(
    _pre_body, grid=(_GRID,),
    in_specs=[_dc_spec, _row_spec, _w_spec],
    out_specs=_row_spec, out_shape=_out_shape)

_mid = pl.pallas_call(
    _mid_body, grid=(_GRID,),
    in_specs=[_dc_spec, _agg_spec, _b_spec, _w_spec],
    out_specs=_row_spec, out_shape=_out_shape)

_post = pl.pallas_call(
    _post_body, grid=(_GRID,),
    in_specs=[_dc_spec, _agg_spec, _b_spec],
    out_specs=_row_spec, out_shape=_out_shape)


def kernel(h, edge_index, W1, b1, W2, b2):
    src = edge_index[0]
    dst = edge_index[1]
    pad = E_PAD - N_EDGES
    junk = jnp.arange(pad, dtype=jnp.int32) % (N_PAD - N_NODES) + N_NODES
    src_g = jnp.concatenate([src, jnp.zeros((pad,), jnp.int32)])
    dst_p = jnp.concatenate([dst, junk])
    src_d = jnp.concatenate([src, junk])

    edges_deg = jnp.stack([src_d, dst_p]).reshape(NC, NS, K_DEG, BLK)
    src_g3 = src_g.reshape(NW * K_TILE, BLK2)
    dst_g3 = dst_p.reshape(NW * K_TILE, BLK2)

    ones = jnp.ones((BLK, D), jnp.float32)
    zr = jnp.zeros((ROWS_PER_TILE, D), jnp.float32)

    dcounts = _degree_kernel(edges_deg, zr, ones)

    xws1 = _pre(dcounts, h, W1)
    agg1 = _aggregate_kernel(xws1, src_g3, dst_g3, zr)
    xws2 = _mid(dcounts, agg1, b1.reshape(1, D), W2)
    agg2 = _aggregate_kernel(xws2, src_g3, dst_g3, zr)
    return _post(dcounts, agg2, b2.reshape(1, D))

# --- scband reference (transcript-rebuilt; emitter-appended) ---
"""Pipeline reference for scband-gcnn-2-l-4982162063670 (READ-ONLY COPY).

The authoritative reference and input builder live on the scoring server;
editing this copy changes nothing except your own understanding.
"""

import jax, jax.numpy as jnp
import numpy as np

N = 10000
E = 320000
D_IN = 128
D_HID = 128
D_OUT = 128


def setup_inputs(seed: int = 0) -> dict:
    key = jax.random.key(seed)
    k1, k2, k3, k4 = jax.random.split(key, 4)
    h = jax.random.normal(k1, (N, D_IN), dtype=jnp.float32)
    edge_index = jax.random.randint(k2, (2, E), 0, N, dtype=jnp.int32)
    # GraphConv layer params (Glorot-ish init)
    W1 = jax.random.normal(k3, (D_IN, D_HID), dtype=jnp.float32) * (1.0 / np.sqrt(D_IN))
    b1 = jnp.zeros((D_HID,), dtype=jnp.float32)
    W2 = jax.random.normal(k4, (D_HID, D_OUT), dtype=jnp.float32) * (1.0 / np.sqrt(D_HID))
    b2 = jnp.zeros((D_OUT,), dtype=jnp.float32)
    return {"h": h, "edge_index": edge_index, "W1": W1, "b1": b1, "W2": W2, "b2": b2}


def _graph_conv_both(x, src, dst, W, b):
    # DGL GraphConv with norm='both':
    # out = D_in^{-1/2} * A^T * (D_out^{-1/2} * X W) + b
    deg_out = jnp.maximum(jnp.bincount(src, length=N).astype(jnp.float32), 1.0)
    deg_in = jnp.maximum(jnp.bincount(dst, length=N).astype(jnp.float32), 1.0)
    norm_src = jax.lax.rsqrt(deg_out)[:, None]
    norm_dst = jax.lax.rsqrt(deg_in)[:, None]
    xw = x @ W
    msg = jnp.take(xw * norm_src, src, axis=0)
    agg = jax.ops.segment_sum(msg, dst, num_segments=N)
    return agg * norm_dst + b


def reference(h, edge_index, W1, b1, W2, b2):
    src = edge_index[0]
    dst = edge_index[1]
    h1 = _graph_conv_both(h, src, dst, W1, b1)
    h1 = jax.nn.elu(h1)  # act = nn.ELU()
    # dropout p=0 -> identity
    h2 = _graph_conv_both(h1, src, dst, W2, b2)
    # last_act = nn.Identity()
    return h2

if __name__ == "__main__":
    import jax
    _d = setup_inputs()
    print(jax.jit(kernel)(*tuple(_d.values())))

</pallas_src>

<mosaic_0001>
#map = affine_map<(d0, d1) -> (0, 0, 0, 0)>
#map1 = affine_map<(d0, d1) -> (0, 0)>
#map2 = affine_map<(d0, d1) -> (0, 0, 0)>
module attributes {stable_mosaic.version = 14 : i64} {
  func.func @_degree_kernel(%arg0: i32, %arg1: i32, %arg2: memref<2x16x160x128xi32, #tpu.memory_space<hbm>>, %arg3: memref<632x128xf32, #tpu.memory_space<hbm>>, %arg4: memref<128x128xf32, #tpu.memory_space<hbm>>, %arg5: memref<2x10112x128xf32, #tpu.memory_space<hbm>>, %arg6: memref<160x128xi32, #tpu.memory_space<vmem>>, %arg7: memref<128x128xf32, #tpu.memory_space<vmem>>, %arg8: memref<10112x128xf32, #tpu.memory_space<vmem_shared>>) attributes {dimension_semantics = [#tpu.dimension_semantics<core_parallel>, #tpu.dimension_semantics<subcore_parallel>], iteration_bounds = array<i64: 2, 16>, scalar_prefetch = 0 : i64, scratch_operands = 3 : i64, tpu.core_type = #tpu.core_type<sc_vector_subcore>, window_params = [{transform_indices = #map}, {transform_indices = #map1}, {transform_indices = #map1}, {transform_indices = #map2}]} {
    %mul3A = arith.constant 632 : i32
    %mul3A_0 = arith.muli %arg1, %mul3A : i32
    "tpu.region"() ({
      %run_scoped3A = tpu.sem_alloc : memref<!tpu.dma_semaphore, #tpu.memory_space<semaphore_mem>>
      %dma_start3A = arith.constant 0 : i32
      %dma_start3A_9 = tpu.memref_slice %arg8[%mul3A_0, %dma_start3A] : memref<10112x128xf32, #tpu.memory_space<vmem_shared>> -> memref<632x128xf32, #tpu.memory_space<vmem_shared>>
      tpu.enqueue_dma source(%arg3 : memref<632x128xf32, #tpu.memory_space<hbm>>) target(%dma_start3A_9 : memref<632x128xf32, #tpu.memory_space<vmem_shared>>) target_semaphore(%run_scoped3A : memref<!tpu.dma_semaphore, #tpu.memory_space<semaphore_mem>>)
      %dma_wait3A = arith.constant 0 : i32
      %dma_wait3A_10 = tpu.memref_slice %arg8[%mul3A_0, %dma_wait3A] : memref<10112x128xf32, #tpu.memory_space<vmem_shared>> -> memref<632x128xf32, #tpu.memory_space<vmem_shared>>
      tpu.wait_dma2 semaphore(%run_scoped3A : memref<!tpu.dma_semaphore, #tpu.memory_space<semaphore_mem>>) src(%arg3 : memref<632x128xf32, #tpu.memory_space<hbm>>) dst(%dma_wait3A_10 : memref<632x128xf32, #tpu.memory_space<vmem_shared>>)
      tpu.yield
    }) : () -> ()
    "tpu.region"() ({
      %run_scoped3A = tpu.sem_alloc : memref<!tpu.dma_semaphore, #tpu.memory_space<semaphore_mem>>
      tpu.enqueue_dma source(%arg4 : memref<128x128xf32, #tpu.memory_space<hbm>>) target(%arg7 : memref<128x128xf32, #tpu.memory_space<vmem>>) target_semaphore(%run_scoped3A : memref<!tpu.dma_semaphore, #tpu.memory_space<semaphore_mem>>)
      tpu.wait_dma2 semaphore(%run_scoped3A : memref<!tpu.dma_semaphore, #tpu.memory_space<semaphore_mem>>) src(%arg4 : memref<128x128xf32, #tpu.memory_space<hbm>>) dst(%arg7 : memref<128x128xf32, #tpu.memory_space<vmem>>)
      tpu.yield
    }) : () -> ()
    "tpu.region"() ({
      %run_scoped3A = tpu.sem_alloc : memref<!tpu.dma_semaphore, #tpu.memory_space<semaphore_mem>>
      %dma_start3A = arith.constant 0 : i32
      %dma_start3A_9 = arith.constant 0 : i32
      %dma_start3A_10 = tpu.memref_slice %arg2[%arg0, %arg1, %dma_start3A, %dma_start3A_9] : memref<2x16x160x128xi32, #tpu.memory_space<hbm>> -> memref<1x1x160x128xi32, #tpu.memory_space<hbm>>
      %dma_start3A_11 = tpu.memref_squeeze %dma_start3A_10 : memref<1x1x160x128xi32, #tpu.memory_space<hbm>> -> memref<160x128xi32, #tpu.memory_space<hbm>>
      %dma_start3A_12 = arith.constant 0 : i32
      %dma_start3A_13 = arith.constant 0 : i32
      %dma_start3A_14 = tpu.memref_slice %arg2[%arg0, %arg1, %dma_start3A_12, %dma_start3A_13] : memref<2x16x160x128xi32, #tpu.memory_space<hbm>> -> memref<1x1x160x128xi32, #tpu.memory_space<hbm>>
      %dma_start3A_15 = tpu.memref_squeeze %dma_start3A_14 : memref<1x1x160x128xi32, #tpu.memory_space<hbm>> -> memref<160x128xi32, #tpu.memory_space<hbm>>
      tpu.enqueue_dma source(%dma_start3A_15 : memref<160x128xi32, #tpu.memory_space<hbm>>) target(%arg6 : memref<160x128xi32, #tpu.memory_space<vmem>>) target_semaphore(%run_scoped3A : memref<!tpu.dma_semaphore, #tpu.memory_space<semaphore_mem>>)
      %dma_wait3A = arith.constant 0 : i32
      %dma_wait3A_16 = arith.constant 0 : i32
      %dma_wait3A_17 = tpu.memref_slice %arg2[%arg0, %arg1, %dma_wait3A, %dma_wait3A_16] : memref<2x16x160x128xi32, #tpu.memory_space<hbm>> -> memref<1x1x160x128xi32, #tpu.memory_space<hbm>>
      %dma_wait3A_18 = tpu.memref_squeeze %dma_wait3A_17 : memref<1x1x160x128xi32, #tpu.memory_space<hbm>> -> memref<160x128xi32, #tpu.memory_space<hbm>>
      %dma_wait3A_19 = arith.constant 0 : i32
      %dma_wait3A_20 = arith.constant 0 : i32
      %dma_wait3A_21 = tpu.memref_slice %arg2[%arg0, %arg1, %dma_wait3A_19, %dma_wait3A_20] : memref<2x16x160x128xi32, #tpu.memory_space<hbm>> -> memref<1x1x160x128xi32, #tpu.memory_space<hbm>>
      %dma_wait3A_22 = tpu.memref_squeeze %dma_wait3A_21 : memref<1x1x160x128xi32, #tpu.memory_space<hbm>> -> memref<160x128xi32, #tpu.memory_space<hbm>>
      tpu.wait_dma2 semaphore(%run_scoped3A : memref<!tpu.dma_semaphore, #tpu.memory_space<semaphore_mem>>) src(%dma_wait3A_22 : memref<160x128xi32, #tpu.memory_space<hbm>>) dst(%arg6 : memref<160x128xi32, #tpu.memory_space<vmem>>)
      tpu.yield
    }) : () -> ()
    %barrier3A = arith.constant 0 : index
    tpu.barrier barrier_id(%barrier3A)
    %scan3A = arith.constant 0 : i32
    %scan3A_1 = arith.constant 0 : i32
    %scan3A_2 = arith.constant 160 : i32
    %scan3A_3 = arith.addi %scan3A_1, %scan3A_2 : i32
    %scan3A_4 = arith.constant 1 : i32
    scf.for %scan3A_9 = %scan3A_1 to %scan3A_3 step %scan3A_4  : i32 {
      "tpu.region"() ({
        %run_scoped3A = tpu.sem_alloc : memref<!tpu.dma_semaphore, #tpu.memory_space<semaphore_mem>>
        %dma_start3A = arith.constant 0 : i32
        %dma_start3A_10 = tpu.memref_slice %arg6[%scan3A_9, %dma_start3A] : memref<160x128xi32, #tpu.memory_space<vmem>> -> memref<1x128xi32, #tpu.memory_space<vmem>>
        %dma_start3A_11 = tpu.memref_squeeze %dma_start3A_10 : memref<1x128xi32, #tpu.memory_space<vmem>> -> memref<128xi32, #tpu.memory_space<vmem>>
        %dma_start3A_12 = arith.constant 0 : i32
        %dma_start3A_13 = arith.constant 0 : i32
        %dma_start3A_14 = tpu.memref_slice %arg8[%dma_start3A_12, %dma_start3A_13] : memref<10112x128xf32, #tpu.memory_space<vmem_shared>> -> memref<10112x128xf32, #tpu.memory_space<vmem_shared>>
        tpu.enqueue_indirect_dma source(%arg7 : memref<128x128xf32, #tpu.memory_space<vmem>>) target(%dma_start3A_14 : memref<10112x128xf32, #tpu.memory_space<vmem_shared>>) offsets(%dma_start3A_11 : memref<128xi32, #tpu.memory_space<vmem>>) semaphore(%run_scoped3A : memref<!tpu.dma_semaphore, #tpu.memory_space<semaphore_mem>>) {add = true}
        %dma_wait3A = arith.constant 0 : i32
        %dma_wait3A_15 = tpu.memref_slice %arg6[%scan3A_9, %dma_wait3A] : memref<160x128xi32, #tpu.memory_space<vmem>> -> memref<1x128xi32, #tpu.memory_space<vmem>>
        %dma_wait3A_16 = tpu.memref_squeeze %dma_wait3A_15 : memref<1x128xi32, #tpu.memory_space<vmem>> -> memref<128xi32, #tpu.memory_space<vmem>>
        %dma_wait3A_17 = arith.constant 0 : i32
        %dma_wait3A_18 = arith.constant 0 : i32
        %dma_wait3A_19 = tpu.memref_slice %arg8[%dma_wait3A_17, %dma_wait3A_18] : memref<10112x128xf32, #tpu.memory_space<vmem_shared>> -> memref<10112x128xf32, #tpu.memory_space<vmem_shared>>
        tpu.wait_indirect_dma semaphore(%run_scoped3A : memref<!tpu.dma_semaphore, #tpu.memory_space<semaphore_mem>>) src(%arg7 : memref<128x128xf32, #tpu.memory_space<vmem>>) dst(%dma_wait3A_19 : memref<10112x128xf32, #tpu.memory_space<vmem_shared>>)
        tpu.yield
      }) : () -> ()
    }
    %scan3A_5 = arith.constant 160 : i32
    %barrier3A_6 = arith.constant 0 : index
    tpu.barrier barrier_id(%barrier3A_6)
    %mul3A_7 = arith.constant 632 : i32
    %mul3A_8 = arith.muli %arg1, %mul3A_7 : i32
    "tpu.region"() ({
      %run_scoped3A = tpu.sem_alloc : memref<!tpu.dma_semaphore, #tpu.memory_space<semaphore_mem>>
      %dma_start3A = arith.constant 0 : i32
      %dma_start3A_9 = tpu.memref_slice %arg5[%arg0, %mul3A_8, %dma_start3A] : memref<2x10112x128xf32, #tpu.memory_space<hbm>> -> memref<1x632x128xf32, #tpu.memory_space<hbm>>
      %dma_start3A_10 = tpu.memref_squeeze %dma_start3A_9 : memref<1x632x128xf32, #tpu.memory_space<hbm>> -> memref<632x128xf32, #tpu.memory_space<hbm>>
      %dma_start3A_11 = arith.constant 0 : i32
      %dma_start3A_12 = tpu.memref_slice %arg8[%mul3A_8, %dma_start3A_11] : memref<10112x128xf32, #tpu.memory_space<vmem_shared>> -> memref<632x128xf32, #tpu.memory_space<vmem_shared>>
      tpu.enqueue_dma source(%dma_start3A_12 : memref<632x128xf32, #tpu.memory_space<vmem_shared>>) target(%dma_start3A_10 : memref<632x128xf32, #tpu.memory_space<hbm>>) target_semaphore(%run_scoped3A : memref<!tpu.dma_semaphore, #tpu.memory_space<semaphore_mem>>)
      %dma_wait3A = arith.constant 0 : i32
      %dma_wait3A_13 = tpu.memref_slice %arg5[%arg0, %mul3A_8, %dma_wait3A] : memref<2x10112x128xf32, #tpu.memory_space<hbm>> -> memref<1x632x128xf32, #tpu.memory_space<hbm>>
      %dma_wait3A_14 = tpu.memref_squeeze %dma_wait3A_13 : memref<1x632x128xf32, #tpu.memory_space<hbm>> -> memref<632x128xf32, #tpu.memory_space<hbm>>
      %dma_wait3A_15 = arith.constant 0 : i32
      %dma_wait3A_16 = tpu.memref_slice %arg8[%mul3A_8, %dma_wait3A_15] : memref<10112x128xf32, #tpu.memory_space<vmem_shared>> -> memref<632x128xf32, #tpu.memory_space<vmem_shared>>
      tpu.wait_dma2 semaphore(%run_scoped3A : memref<!tpu.dma_semaphore, #tpu.memory_space<semaphore_mem>>) src(%dma_wait3A_16 : memref<632x128xf32, #tpu.memory_space<vmem_shared>>) dst(%dma_wait3A_14 : memref<632x128xf32, #tpu.memory_space<hbm>>)
      tpu.yield
    }) : () -> ()
    return
  }
}

#map = affine_map<(d0, d1) -> (0, 0)>
#map1 = affine_map<(d0, d1) -> (0, 0, 0)>
module attributes {stable_mosaic.version = 14 : i64} {
  func.func @_aggregate_kernel(%arg0: i32, %arg1: i32, %arg2: memref<10000x128xf32, #tpu.memory_space<hbm>>, %arg3: memref<5120x64xi32, #tpu.memory_space<hbm>>, %arg4: memref<5120x64xi32, #tpu.memory_space<hbm>>, %arg5: memref<632x128xf32, #tpu.memory_space<hbm>>, %arg6: memref<2x10112x128xf32, #tpu.memory_space<hbm>>, %arg7: memref<40x64xi32, #tpu.memory_space<vmem>>, %arg8: memref<40x64xi32, #tpu.memory_space<vmem>>, %arg9: memref<4x64x128xf32, #tpu.memory_space<vmem>>, %arg10: memref<10112x128xf32, #tpu.memory_space<vmem_shared>>, %arg11: memref<!tpu.dma_semaphore, #tpu.memory_space<semaphore_mem>>, %arg12: memref<!tpu.dma_semaphore, #tpu.memory_space<semaphore_mem>>, %arg13: memref<!tpu.dma_semaphore, #tpu.memory_space<semaphore_mem>>, %arg14: memref<!tpu.dma_semaphore, #tpu.memory_space<semaphore_mem>>) attributes {dimension_semantics = [#tpu.dimension_semantics<core_parallel>, #tpu.dimension_semantics<subcore_parallel>], iteration_bounds = array<i64: 2, 16>, scalar_prefetch = 0 : i64, scratch_operands = 8 : i64, tpu.core_type = #tpu.core_type<sc_vector_subcore>, window_params = [{transform_indices = #map}, {transform_indices = #map}, {transform_indices = #map}, {transform_indices = #map}, {transform_indices = #map1}]} {
    %mul3A = arith.constant 632 : i32
    %mul3A_0 = arith.muli %arg1, %mul3A : i32
    "tpu.region"() ({
      %run_scoped3A = tpu.sem_alloc : memref<!tpu.dma_semaphore, #tpu.memory_space<semaphore_mem>>
      %dma_start3A = arith.constant 0 : i32
      %dma_start3A_13 = tpu.memref_slice %arg10[%mul3A_0, %dma_start3A] : memref<10112x128xf32, #tpu.memory_space<vmem_shared>> -> memref<632x128xf32, #tpu.memory_space<vmem_shared>>
      tpu.enqueue_dma source(%arg5 : memref<632x128xf32, #tpu.memory_space<hbm>>) target(%dma_start3A_13 : memref<632x128xf32, #tpu.memory_space<vmem_shared>>) target_semaphore(%run_scoped3A : memref<!tpu.dma_semaphore, #tpu.memory_space<semaphore_mem>>)
      %dma_wait3A = arith.constant 0 : i32
      %dma_wait3A_14 = tpu.memref_slice %arg10[%mul3A_0, %dma_wait3A] : memref<10112x128xf32, #tpu.memory_space<vmem_shared>> -> memref<632x128xf32, #tpu.memory_space<vmem_shared>>
      tpu.wait_dma2 semaphore(%run_scoped3A : memref<!tpu.dma_semaphore, #tpu.memory_space<semaphore_mem>>) src(%arg5 : memref<632x128xf32, #tpu.memory_space<hbm>>) dst(%dma_wait3A_14 : memref<632x128xf32, #tpu.memory_space<vmem_shared>>)
      tpu.yield
    }) : () -> ()
    %barrier3A = arith.constant 0 : index
    tpu.barrier barrier_id(%barrier3A)
    %mul3A_1 = arith.constant 2 : i32
    %mul3A_2 = arith.muli %arg1, %mul3A_1 : i32
    %add3A = arith.addi %mul3A_2, %arg0 : i32
    %mul3A_3 = arith.constant 160 : i32
    %mul3A_4 = arith.muli %add3A, %mul3A_3 : i32
    %scan3A = arith.constant 0 : i32
    %scan3A_5 = arith.constant 0 : i32
    %scan3A_6 = arith.constant 4 : i32
    %scan3A_7 = arith.addi %scan3A_5, %scan3A_6 : i32
    %scan3A_8 = arith.constant 1 : i32
    scf.for %scan3A_13 = %scan3A_5 to %scan3A_7 step %scan3A_8  : i32 {
      %mul3A_14 = arith.constant 40 : i32
      %mul3A_15 = arith.muli %scan3A_13, %mul3A_14 : i32
      %add3A_16 = arith.addi %mul3A_4, %mul3A_15 : i32
      "tpu.region"() ({
        %run_scoped3A = tpu.sem_alloc : memref<!tpu.dma_semaphore, #tpu.memory_space<semaphore_mem>>
        %dma_start3A_58 = arith.constant 0 : i32
        %dma_start3A_59 = tpu.memref_slice %arg3[%add3A_16, %dma_start3A_58] : memref<5120x64xi32, #tpu.memory_space<hbm>> -> memref<40x64xi32, #tpu.memory_space<hbm>>
        %dma_start3A_60 = arith.constant 0 : i32
        %dma_start3A_61 = tpu.memref_slice %arg3[%add3A_16, %dma_start3A_60] : memref<5120x64xi32, #tpu.memory_space<hbm>> -> memref<40x64xi32, #tpu.memory_space<hbm>>
        tpu.enqueue_dma source(%dma_start3A_61 : memref<40x64xi32, #tpu.memory_space<hbm>>) target(%arg7 : memref<40x64xi32, #tpu.memory_space<vmem>>) target_semaphore(%run_scoped3A : memref<!tpu.dma_semaphore, #tpu.memory_space<semaphore_mem>>)
        %dma_wait3A = arith.constant 0 : i32
        %dma_wait3A_62 = tpu.memref_slice %arg3[%add3A_16, %dma_wait3A] : memref<5120x64xi32, #tpu.memory_space<hbm>> -> memref<40x64xi32, #tpu.memory_space<hbm>>
        %dma_wait3A_63 = arith.constant 0 : i32
        %dma_wait3A_64 = tpu.memref_slice %arg3[%add3A_16, %dma_wait3A_63] : memref<5120x64xi32, #tpu.memory_space<hbm>> -> memref<40x64xi32, #tpu.memory_space<hbm>>
        tpu.wait_dma2 semaphore(%run_scoped3A : memref<!tpu.dma_semaphore, #tpu.memory_space<semaphore_mem>>) src(%dma_wait3A_64 : memref<40x64xi32, #tpu.memory_space<hbm>>) dst(%arg7 : memref<40x64xi32, #tpu.memory_space<vmem>>)
        tpu.yield
      }) : () -> ()
      "tpu.region"() ({
        %run_scoped3A = tpu.sem_alloc : memref<!tpu.dma_semaphore, #tpu.memory_space<semaphore_mem>>
        %dma_start3A_58 = arith.constant 0 : i32
        %dma_start3A_59 = tpu.memref_slice %arg4[%add3A_16, %dma_start3A_58] : memref<5120x64xi32, #tpu.memory_space<hbm>> -> memref<40x64xi32, #tpu.memory_space<hbm>>
        %dma_start3A_60 = arith.constant 0 : i32
        %dma_start3A_61 = tpu.memref_slice %arg4[%add3A_16, %dma_start3A_60] : memref<5120x64xi32, #tpu.memory_space<hbm>> -> memref<40x64xi32, #tpu.memory_space<hbm>>
        tpu.enqueue_dma source(%dma_start3A_61 : memref<40x64xi32, #tpu.memory_space<hbm>>) target(%arg8 : memref<40x64xi32, #tpu.memory_space<vmem>>) target_semaphore(%run_scoped3A : memref<!tpu.dma_semaphore, #tpu.memory_space<semaphore_mem>>)
        %dma_wait3A = arith.constant 0 : i32
        %dma_wait3A_62 = tpu.memref_slice %arg4[%add3A_16, %dma_wait3A] : memref<5120x64xi32, #tpu.memory_space<hbm>> -> memref<40x64xi32, #tpu.memory_space<hbm>>
        %dma_wait3A_63 = arith.constant 0 : i32
        %dma_wait3A_64 = tpu.memref_slice %arg4[%add3A_16, %dma_wait3A_63] : memref<5120x64xi32, #tpu.memory_space<hbm>> -> memref<40x64xi32, #tpu.memory_space<hbm>>
        tpu.wait_dma2 semaphore(%run_scoped3A : memref<!tpu.dma_semaphore, #tpu.memory_space<semaphore_mem>>) src(%dma_wait3A_64 : memref<40x64xi32, #tpu.memory_space<hbm>>) dst(%arg8 : memref<40x64xi32, #tpu.memory_space<vmem>>)
        tpu.yield
      }) : () -> ()
      %dma_start3A = arith.constant 0 : i32
      %dma_start3A_17 = arith.constant 0 : i32
      %dma_start3A_18 = arith.constant 0 : i32
      %dma_start3A_19 = arith.constant 0 : i32
      %dma_start3A_20 = tpu.memref_slice %arg9[%dma_start3A_17, %dma_start3A_18, %dma_start3A_19] : memref<4x64x128xf32, #tpu.memory_space<vmem>> -> memref<1x64x128xf32, #tpu.memory_space<vmem>>
      %dma_start3A_21 = tpu.memref_squeeze %dma_start3A_20 : memref<1x64x128xf32, #tpu.memory_space<vmem>> -> memref<64x128xf32, #tpu.memory_space<vmem>>
      %dma_start3A_22 = arith.constant 0 : i32
      %dma_start3A_23 = tpu.memref_slice %arg7[%dma_start3A, %dma_start3A_22] : memref<40x64xi32, #tpu.memory_space<vmem>> -> memref<1x64xi32, #tpu.memory_space<vmem>>
      %dma_start3A_24 = tpu.memref_squeeze %dma_start3A_23 : memref<1x64xi32, #tpu.memory_space<vmem>> -> memref<64xi32, #tpu.memory_space<vmem>>
      %dma_start3A_25 = arith.constant 0 : i32
      %dma_start3A_26 = arith.constant 0 : i32
      %dma_start3A_27 = tpu.memref_slice %arg2[%dma_start3A_25, %dma_start3A_26] : memref<10000x128xf32, #tpu.memory_space<hbm>> -> memref<10000x128xf32, #tpu.memory_space<hbm>>
      tpu.enqueue_indirect_dma source(%dma_start3A_27 : memref<10000x128xf32, #tpu.memory_space<hbm>>) target(%dma_start3A_21 : memref<64x128xf32, #tpu.memory_space<vmem>>) offsets(%dma_start3A_24 : memref<64xi32, #tpu.memory_space<vmem>>) semaphore(%arg11 : memref<!tpu.dma_semaphore, #tpu.memory_space<semaphore_mem>>)
      %dma_start3A_28 = arith.constant 1 : i32
      %dma_start3A_29 = arith.constant 1 : i32
      %dma_start3A_30 = arith.constant 0 : i32
      %dma_start3A_31 = arith.constant 0 : i32
      %dma_start3A_32 = tpu.memref_slice %arg9[%dma_start3A_29, %dma_start3A_30, %dma_start3A_31] : memref<4x64x128xf32, #tpu.memory_space<vmem>> -> memref<1x64x128xf32, #tpu.memory_space<vmem>>
      %dma_start3A_33 = tpu.memref_squeeze %dma_start3A_32 : memref<1x64x128xf32, #tpu.memory_space<vmem>> -> memref<64x128xf32, #tpu.memory_space<vmem>>
      %dma_start3A_34 = arith.constant 0 : i32
      %dma_start3A_35 = tpu.memref_slice %arg7[%dma_start3A_28, %dma_start3A_34] : memref<40x64xi32, #tpu.memory_space<vmem>> -> memref<1x64xi32, #tpu.memory_space<vmem>>
      %dma_start3A_36 = tpu.memref_squeeze %dma_start3A_35 : memref<1x64xi32, #tpu.memory_space<vmem>> -> memref<64xi32, #tpu.memory_space<vmem>>
      %dma_start3A_37 = arith.constant 0 : i32
      %dma_start3A_38 = arith.constant 0 : i32
      %dma_start3A_39 = tpu.memref_slice %arg2[%dma_start3A_37, %dma_start3A_38] : memref<10000x128xf32, #tpu.memory_space<hbm>> -> memref<10000x128xf32, #tpu.memory_space<hbm>>
      tpu.enqueue_indirect_dma source(%dma_start3A_39 : memref<10000x128xf32, #tpu.memory_space<hbm>>) target(%dma_start3A_33 : memref<64x128xf32, #tpu.memory_space<vmem>>) offsets(%dma_start3A_36 : memref<64xi32, #tpu.memory_space<vmem>>) semaphore(%arg12 : memref<!tpu.dma_semaphore, #tpu.memory_space<semaphore_mem>>)
      %dma_start3A_40 = arith.constant 2 : i32
      %dma_start3A_41 = arith.constant 2 : i32
      %dma_start3A_42 = arith.constant 0 : i32
      %dma_start3A_43 = arith.constant 0 : i32
      %dma_start3A_44 = tpu.memref_slice %arg9[%dma_start3A_41, %dma_start3A_42, %dma_start3A_43] : memref<4x64x128xf32, #tpu.memory_space<vmem>> -> memref<1x64x128xf32, #tpu.memory_space<vmem>>
      %dma_start3A_45 = tpu.memref_squeeze %dma_start3A_44 : memref<1x64x128xf32, #tpu.memory_space<vmem>> -> memref<64x128xf32, #tpu.memory_space<vmem>>
      %dma_start3A_46 = arith.constant 0 : i32
      %dma_start3A_47 = tpu.memref_slice %arg7[%dma_start3A_40, %dma_start3A_46] : memref<40x64xi32, #tpu.memory_space<vmem>> -> memref<1x64xi32, #tpu.memory_space<vmem>>
      %dma_start3A_48 = tpu.memref_squeeze %dma_start3A_47 : memref<1x64xi32, #tpu.memory_space<vmem>> -> memref<64xi32, #tpu.memory_space<vmem>>
      %dma_start3A_49 = arith.constant 0 : i32
      %dma_start3A_50 = arith.constant 0 : i32
      %dma_start3A_51 = tpu.memref_slice %arg2[%dma_start3A_49, %dma_start3A_50] : memref<10000x128xf32, #tpu.memory_space<hbm>> -> memref<10000x128xf32, #tpu.memory_space<hbm>>
      tpu.enqueue_indirect_dma source(%dma_start3A_51 : memref<10000x128xf32, #tpu.memory_space<hbm>>) target(%dma_start3A_45 : memref<64x128xf32, #tpu.memory_space<vmem>>) offsets(%dma_start3A_48 : memref<64xi32, #tpu.memory_space<vmem>>) semaphore(%arg13 : memref<!tpu.dma_semaphore, #tpu.memory_space<semaphore_mem>>)
      %scan3A_52 = arith.constant 0 : i32
      %scan3A_53 = arith.constant 0 : i32
      %scan3A_54 = arith.constant 10 : i32
      %scan3A_55 = arith.addi %scan3A_53, %scan3A_54 : i32
      %scan3A_56 = arith.constant 1 : i32
      scf.for %scan3A_58 = %scan3A_53 to %scan3A_55 step %scan3A_56  : i32 {
        %mul3A_59 = arith.constant 4 : i32
        %mul3A_60 = arith.muli %mul3A_59, %scan3A_58 : i32
        %add3A_61 = arith.constant 0 : i32
        %add3A_62 = arith.addi %mul3A_60, %add3A_61 : i32
        %dma_wait3A = arith.constant 0 : i32
        %dma_wait3A_63 = arith.constant 0 : i32
        %dma_wait3A_64 = arith.constant 0 : i32
        %dma_wait3A_65 = tpu.memref_slice %arg9[%dma_wait3A, %dma_wait3A_63, %dma_wait3A_64] : memref<4x64x128xf32, #tpu.memory_space<vmem>> -> memref<1x64x128xf32, #tpu.memory_space<vmem>>
        %dma_wait3A_66 = tpu.memref_squeeze %dma_wait3A_65 : memref<1x64x128xf32, #tpu.memory_space<vmem>> -> memref<64x128xf32, #tpu.memory_space<vmem>>
        %dma_wait3A_67 = arith.constant 0 : i32
        %dma_wait3A_68 = tpu.memref_slice %arg7[%add3A_62, %dma_wait3A_67] : memref<40x64xi32, #tpu.memory_space<vmem>> -> memref<1x64xi32, #tpu.memory_space<vmem>>
        %dma_wait3A_69 = tpu.memref_squeeze %dma_wait3A_68 : memref<1x64xi32, #tpu.memory_space<vmem>> -> memref<64xi32, #tpu.memory_space<vmem>>
        %dma_wait3A_70 = arith.constant 0 : i32
        %dma_wait3A_71 = arith.constant 0 : i32
        %dma_wait3A_72 = tpu.memref_slice %arg2[%dma_wait3A_70, %dma_wait3A_71] : memref<10000x128xf32, #tpu.memory_space<hbm>> -> memref<10000x128xf32, #tpu.memory_space<hbm>>
        tpu.wait_indirect_dma semaphore(%arg11 : memref<!tpu.dma_semaphore, #tpu.memory_space<semaphore_mem>>) src(%dma_wait3A_72 : memref<10000x128xf32, #tpu.memory_space<hbm>>) dst(%dma_wait3A_66 : memref<64x128xf32, #tpu.memory_space<vmem>>)
        %add3A_73 = arith.constant 4 : i32
        %add3A_74 = arith.addi %add3A_62, %add3A_73 : i32
        %sub3A = arith.constant 1 : i32
        %sub3A_75 = arith.subi %add3A_74, %sub3A : i32
        %lt3A = arith.constant 40 : i32
        %lt3A_76 = arith.cmpi slt, %sub3A_75, %lt3A : i32
        %convert_element_type3A = arith.extui %lt3A_76 : i1 to i32
        %cond3A = arith.constant 0 : i32
        %cond3A_77 = arith.cmpi ne, %convert_element_type3A, %cond3A : i32
        scf.if %cond3A_77 {
          %add3A_147 = arith.constant 4 : i32
          %add3A_148 = arith.addi %add3A_62, %add3A_147 : i32
          %sub3A_149 = arith.constant 1 : i32
          %sub3A_150 = arith.subi %add3A_148, %sub3A_149 : i32
          %dma_start3A_151 = arith.constant 3 : i32
          %dma_start3A_152 = arith.constant 0 : i32
          %dma_start3A_153 = arith.constant 0 : i32
          %dma_start3A_154 = tpu.memref_slice %arg9[%dma_start3A_151, %dma_start3A_152, %dma_start3A_153] : memref<4x64x128xf32, #tpu.memory_space<vmem>> -> memref<1x64x128xf32, #tpu.memory_space<vmem>>
          %dma_start3A_155 = tpu.memref_squeeze %dma_start3A_154 : memref<1x64x128xf32, #tpu.memory_space<vmem>> -> memref<64x128xf32, #tpu.memory_space<vmem>>
          %dma_start3A_156 = arith.constant 0 : i32
          %dma_start3A_157 = tpu.memref_slice %arg7[%sub3A_150, %dma_start3A_156] : memref<40x64xi32, #tpu.memory_space<vmem>> -> memref<1x64xi32, #tpu.memory_space<vmem>>
          %dma_start3A_158 = tpu.memref_squeeze %dma_start3A_157 : memref<1x64xi32, #tpu.memory_space<vmem>> -> memref<64xi32, #tpu.memory_space<vmem>>
          %dma_start3A_159 = arith.constant 0 : i32
          %dma_start3A_160 = arith.constant 0 : i32
          %dma_start3A_161 = tpu.memref_slice %arg2[%dma_start3A_159, %dma_start3A_160] : memref<10000x128xf32, #tpu.memory_space<hbm>> -> memref<10000x128xf32, #tpu.memory_space<hbm>>
          tpu.enqueue_indirect_dma source(%dma_start3A_161 : memref<10000x128xf32, #tpu.memory_space<hbm>>) target(%dma_start3A_155 : memref<64x128xf32, #tpu.memory_space<vmem>>) offsets(%dma_start3A_158 : memref<64xi32, #tpu.memory_space<vmem>>) semaphore(%arg14 : memref<!tpu.dma_semaphore, #tpu.memory_space<semaphore_mem>>)
        } else {
        }
        %run_scoped3A = arith.constant 0 : i32
        "tpu.region"() ({
          %run_scoped3A_147 = tpu.sem_alloc : memref<!tpu.dma_semaphore, #tpu.memory_space<semaphore_mem>>
          %dma_start3A_148 = arith.constant 0 : i32
          %dma_start3A_149 = arith.constant 0 : i32
          %dma_start3A_150 = tpu.memref_slice %arg9[%run_scoped3A, %dma_start3A_148, %dma_start3A_149] : memref<4x64x128xf32, #tpu.memory_space<vmem>> -> memref<1x64x128xf32, #tpu.memory_space<vmem>>
          %dma_start3A_151 = tpu.memref_squeeze %dma_start3A_150 : memref<1x64x128xf32, #tpu.memory_space<vmem>> -> memref<64x128xf32, #tpu.memory_space<vmem>>
          %dma_start3A_152 = arith.constant 0 : i32
          %dma_start3A_153 = tpu.memref_slice %arg8[%add3A_62, %dma_start3A_152] : memref<40x64xi32, #tpu.memory_space<vmem>> -> memref<1x64xi32, #tpu.memory_space<vmem>>
          %dma_start3A_154 = tpu.memref_squeeze %dma_start3A_153 : memref<1x64xi32, #tpu.memory_space<vmem>> -> memref<64xi32, #tpu.memory_space<vmem>>
          %dma_start3A_155 = arith.constant 0 : i32
          %dma_start3A_156 = arith.constant 0 : i32
          %dma_start3A_157 = tpu.memref_slice %arg10[%dma_start3A_155, %dma_start3A_156] : memref<10112x128xf32, #tpu.memory_space<vmem_shared>> -> memref<10112x128xf32, #tpu.memory_space<vmem_shared>>
          tpu.enqueue_indirect_dma source(%dma_start3A_151 : memref<64x128xf32, #tpu.memory_space<vmem>>) target(%dma_start3A_157 : memref<10112x128xf32, #tpu.memory_space<vmem_shared>>) offsets(%dma_start3A_154 : memref<64xi32, #tpu.memory_space<vmem>>) semaphore(%run_scoped3A_147 : memref<!tpu.dma_semaphore, #tpu.memory_space<semaphore_mem>>) {add = true}
          %dma_wait3A_158 = arith.constant 0 : i32
          %dma_wait3A_159 = arith.constant 0 : i32
          %dma_wait3A_160 = tpu.memref_slice %arg9[%run_scoped3A, %dma_wait3A_158, %dma_wait3A_159] : memref<4x64x128xf32, #tpu.memory_space<vmem>> -> memref<1x64x128xf32, #tpu.memory_space<vmem>>
          %dma_wait3A_161 = tpu.memref_squeeze %dma_wait3A_160 : memref<1x64x128xf32, #tpu.memory_space<vmem>> -> memref<64x128xf32, #tpu.memory_space<vmem>>
          %dma_wait3A_162 = arith.constant 0 : i32
          %dma_wait3A_163 = tpu.memref_slice %arg8[%add3A_62, %dma_wait3A_162] : memref<40x64xi32, #tpu.memory_space<vmem>> -> memref<1x64xi32, #tpu.memory_space<vmem>>
          %dma_wait3A_164 = tpu.memref_squeeze %dma_wait3A_163 : memref<1x64xi32, #tpu.memory_space<vmem>> -> memref<64xi32, #tpu.memory_space<vmem>>
          %dma_wait3A_165 = arith.constant 0 : i32
          %dma_wait3A_166 = arith.constant 0 : i32
          %dma_wait3A_167 = tpu.memref_slice %arg10[%dma_wait3A_165, %dma_wait3A_166] : memref<10112x128xf32, #tpu.memory_space<vmem_shared>> -> memref<10112x128xf32, #tpu.memory_space<vmem_shared>>
          tpu.wait_indirect_dma semaphore(%run_scoped3A_147 : memref<!tpu.dma_semaphore, #tpu.memory_space<semaphore_mem>>) src(%dma_wait3A_161 : memref<64x128xf32, #tpu.memory_space<vmem>>) dst(%dma_wait3A_167 : memref<10112x128xf32, #tpu.memory_space<vmem_shared>>)
          tpu.yield
        }) : () -> ()
        %add3A_78 = arith.constant 1 : i32
        %add3A_79 = arith.addi %mul3A_60, %add3A_78 : i32
        %dma_wait3A_80 = arith.constant 1 : i32
        %dma_wait3A_81 = arith.constant 0 : i32
        %dma_wait3A_82 = arith.constant 0 : i32
        %dma_wait3A_83 = tpu.memref_slice %arg9[%dma_wait3A_80, %dma_wait3A_81, %dma_wait3A_82] : memref<4x64x128xf32, #tpu.memory_space<vmem>> -> memref<1x64x128xf32, #tpu.memory_space<vmem>>
        %dma_wait3A_84 = tpu.memref_squeeze %dma_wait3A_83 : memref<1x64x128xf32, #tpu.memory_space<vmem>> -> memref<64x128xf32, #tpu.memory_space<vmem>>
        %dma_wait3A_85 = arith.constant 0 : i32
        %dma_wait3A_86 = tpu.memref_slice %arg7[%add3A_79, %dma_wait3A_85] : memref<40x64xi32, #tpu.memory_space<vmem>> -> memref<1x64xi32, #tpu.memory_space<vmem>>
        %dma_wait3A_87 = tpu.memref_squeeze %dma_wait3A_86 : memref<1x64xi32, #tpu.memory_space<vmem>> -> memref<64xi32, #tpu.memory_space<vmem>>
        %dma_wait3A_88 = arith.constant 0 : i32
        %dma_wait3A_89 = arith.constant 0 : i32
        %dma_wait3A_90 = tpu.memref_slice %arg2[%dma_wait3A_88, %dma_wait3A_89] : memref<10000x128xf32, #tpu.memory_space<hbm>> -> memref<10000x128xf32, #tpu.memory_space<hbm>>
        tpu.wait_indirect_dma semaphore(%arg12 : memref<!tpu.dma_semaphore, #tpu.memory_space<semaphore_mem>>) src(%dma_wait3A_90 : memref<10000x128xf32, #tpu.memory_space<hbm>>) dst(%dma_wait3A_84 : memref<64x128xf32, #tpu.memory_space<vmem>>)
        %add3A_91 = arith.constant 4 : i32
        %add3A_92 = arith.addi %add3A_79, %add3A_91 : i32
        %sub3A_93 = arith.constant 1 : i32
        %sub3A_94 = arith.subi %add3A_92, %sub3A_93 : i32
        %lt3A_95 = arith.constant 40 : i32
        %lt3A_96 = arith.cmpi slt, %sub3A_94, %lt3A_95 : i32
        %convert_element_type3A_97 = arith.extui %lt3A_96 : i1 to i32
        %cond3A_98 = arith.constant 0 : i32
        %cond3A_99 = arith.cmpi ne, %convert_element_type3A_97, %cond3A_98 : i32
        scf.if %cond3A_99 {
          %add3A_147 = arith.constant 4 : i32
          %add3A_148 = arith.addi %add3A_79, %add3A_147 : i32
          %sub3A_149 = arith.constant 1 : i32
          %sub3A_150 = arith.subi %add3A_148, %sub3A_149 : i32
          %dma_start3A_151 = arith.constant 0 : i32
          %dma_start3A_152 = arith.constant 0 : i32
          %dma_start3A_153 = arith.constant 0 : i32
          %dma_start3A_154 = tpu.memref_slice %arg9[%dma_start3A_151, %dma_start3A_152, %dma_start3A_153] : memref<4x64x128xf32, #tpu.memory_space<vmem>> -> memref<1x64x128xf32, #tpu.memory_space<vmem>>
          %dma_start3A_155 = tpu.memref_squeeze %dma_start3A_154 : memref<1x64x128xf32, #tpu.memory_space<vmem>> -> memref<64x128xf32, #tpu.memory_space<vmem>>
          %dma_start3A_156 = arith.constant 0 : i32
          %dma_start3A_157 = tpu.memref_slice %arg7[%sub3A_150, %dma_start3A_156] : memref<40x64xi32, #tpu.memory_space<vmem>> -> memref<1x64xi32, #tpu.memory_space<vmem>>
          %dma_start3A_158 = tpu.memref_squeeze %dma_start3A_157 : memref<1x64xi32, #tpu.memory_space<vmem>> -> memref<64xi32, #tpu.memory_space<vmem>>
          %dma_start3A_159 = arith.constant 0 : i32
          %dma_start3A_160 = arith.constant 0 : i32
          %dma_start3A_161 = tpu.memref_slice %arg2[%dma_start3A_159, %dma_start3A_160] : memref<10000x128xf32, #tpu.memory_space<hbm>> -> memref<10000x128xf32, #tpu.memory_space<hbm>>
          tpu.enqueue_indirect_dma source(%dma_start3A_161 : memref<10000x128xf32, #tpu.memory_space<hbm>>) target(%dma_start3A_155 : memref<64x128xf32, #tpu.memory_space<vmem>>) offsets(%dma_start3A_158 : memref<64xi32, #tpu.memory_space<vmem>>) semaphore(%arg11 : memref<!tpu.dma_semaphore, #tpu.memory_space<semaphore_mem>>)
        } else {
        }
        %run_scoped3A_100 = arith.constant 1 : i32
        "tpu.region"() ({
          %run_scoped3A_147 = tpu.sem_alloc : memref<!tpu.dma_semaphore, #tpu.memory_space<semaphore_mem>>
          %dma_start3A_148 = arith.constant 0 : i32
          %dma_start3A_149 = arith.constant 0 : i32
          %dma_start3A_150 = tpu.memref_slice %arg9[%run_scoped3A_100, %dma_start3A_148, %dma_start3A_149] : memref<4x64x128xf32, #tpu.memory_space<vmem>> -> memref<1x64x128xf32, #tpu.memory_space<vmem>>
          %dma_start3A_151 = tpu.memref_squeeze %dma_start3A_150 : memref<1x64x128xf32, #tpu.memory_space<vmem>> -> memref<64x128xf32, #tpu.memory_space<vmem>>
          %dma_start3A_152 = arith.constant 0 : i32
          %dma_start3A_153 = tpu.memref_slice %arg8[%add3A_79, %dma_start3A_152] : memref<40x64xi32, #tpu.memory_space<vmem>> -> memref<1x64xi32, #tpu.memory_space<vmem>>
          %dma_start3A_154 = tpu.memref_squeeze %dma_start3A_153 : memref<1x64xi32, #tpu.memory_space<vmem>> -> memref<64xi32, #tpu.memory_space<vmem>>
          %dma_start3A_155 = arith.constant 0 : i32
          %dma_start3A_156 = arith.constant 0 : i32
          %dma_start3A_157 = tpu.memref_slice %arg10[%dma_start3A_155, %dma_start3A_156] : memref<10112x128xf32, #tpu.memory_space<vmem_shared>> -> memref<10112x128xf32, #tpu.memory_space<vmem_shared>>
          tpu.enqueue_indirect_dma source(%dma_start3A_151 : memref<64x128xf32, #tpu.memory_space<vmem>>) target(%dma_start3A_157 : memref<10112x128xf32, #tpu.memory_space<vmem_shared>>) offsets(%dma_start3A_154 : memref<64xi32, #tpu.memory_space<vmem>>) semaphore(%run_scoped3A_147 : memref<!tpu.dma_semaphore, #tpu.memory_space<semaphore_mem>>) {add = true}
          %dma_wait3A_158 = arith.constant 0 : i32
          %dma_wait3A_159 = arith.constant 0 : i32
          %dma_wait3A_160 = tpu.memref_slice %arg9[%run_scoped3A_100, %dma_wait3A_158, %dma_wait3A_159] : memref<4x64x128xf32, #tpu.memory_space<vmem>> -> memref<1x64x128xf32, #tpu.memory_space<vmem>>
          %dma_wait3A_161 = tpu.memref_squeeze %dma_wait3A_160 : memref<1x64x128xf32, #tpu.memory_space<vmem>> -> memref<64x128xf32, #tpu.memory_space<vmem>>
          %dma_wait3A_162 = arith.constant 0 : i32
          %dma_wait3A_163 = tpu.memref_slice %arg8[%add3A_79, %dma_wait3A_162] : memref<40x64xi32, #tpu.memory_space<vmem>> -> memref<1x64xi32, #tpu.memory_space<vmem>>
          %dma_wait3A_164 = tpu.memref_squeeze %dma_wait3A_163 : memref<1x64xi32, #tpu.memory_space<vmem>> -> memref<64xi32, #tpu.memory_space<vmem>>
          %dma_wait3A_165 = arith.constant 0 : i32
          %dma_wait3A_166 = arith.constant 0 : i32
          %dma_wait3A_167 = tpu.memref_slice %arg10[%dma_wait3A_165, %dma_wait3A_166] : memref<10112x128xf32, #tpu.memory_space<vmem_shared>> -> memref<10112x128xf32, #tpu.memory_space<vmem_shared>>
          tpu.wait_indirect_dma semaphore(%run_scoped3A_147 : memref<!tpu.dma_semaphore, #tpu.memory_space<semaphore_mem>>) src(%dma_wait3A_161 : memref<64x128xf32, #tpu.memory_space<vmem>>) dst(%dma_wait3A_167 : memref<10112x128xf32, #tpu.memory_space<vmem_shared>>)
          tpu.yield
        }) : () -> ()
        %add3A_101 = arith.constant 2 : i32
        %add3A_102 = arith.addi %mul3A_60, %add3A_101 : i32
        %dma_wait3A_103 = arith.constant 2 : i32
        %dma_wait3A_104 = arith.constant 0 : i32
        %dma_wait3A_105 = arith.constant 0 : i32
        %dma_wait3A_106 = tpu.memref_slice %arg9[%dma_wait3A_103, %dma_wait3A_104, %dma_wait3A_105] : memref<4x64x128xf32, #tpu.memory_space<vmem>> -> memref<1x64x128xf32, #tpu.memory_space<vmem>>
        %dma_wait3A_107 = tpu.memref_squeeze %dma_wait3A_106 : memref<1x64x128xf32, #tpu.memory_space<vmem>> -> memref<64x128xf32, #tpu.memory_space<vmem>>
        %dma_wait3A_108 = arith.constant 0 : i32
        %dma_wait3A_109 = tpu.memref_slice %arg7[%add3A_102, %dma_wait3A_108] : memref<40x64xi32, #tpu.memory_space<vmem>> -> memref<1x64xi32, #tpu.memory_space<vmem>>
        %dma_wait3A_110 = tpu.memref_squeeze %dma_wait3A_109 : memref<1x64xi32, #tpu.memory_space<vmem>> -> memref<64xi32, #tpu.memory_space<vmem>>
        %dma_wait3A_111 = arith.constant 0 : i32
        %dma_wait3A_112 = arith.constant 0 : i32
        %dma_wait3A_113 = tpu.memref_slice %arg2[%dma_wait3A_111, %dma_wait3A_112] : memref<10000x128xf32, #tpu.memory_space<hbm>> -> memref<10000x128xf32, #tpu.memory_space<hbm>>
        tpu.wait_indirect_dma semaphore(%arg13 : memref<!tpu.dma_semaphore, #tpu.memory_space<semaphore_mem>>) src(%dma_wait3A_113 : memref<10000x128xf32, #tpu.memory_space<hbm>>) dst(%dma_wait3A_107 : memref<64x128xf32, #tpu.memory_space<vmem>>)
        %add3A_114 = arith.constant 4 : i32
        %add3A_115 = arith.addi %add3A_102, %add3A_114 : i32
        %sub3A_116 = arith.constant 1 : i32
        %sub3A_117 = arith.subi %add3A_115, %sub3A_116 : i32
        %lt3A_118 = arith.constant 40 : i32
        %lt3A_119 = arith.cmpi slt, %sub3A_117, %lt3A_118 : i32
        %convert_element_type3A_120 = arith.extui %lt3A_119 : i1 to i32
        %cond3A_121 = arith.constant 0 : i32
        %cond3A_122 = arith.cmpi ne, %convert_element_type3A_120, %cond3A_121 : i32
        scf.if %cond3A_122 {
          %add3A_147 = arith.constant 4 : i32
          %add3A_148 = arith.addi %add3A_102, %add3A_147 : i32
          %sub3A_149 = arith.constant 1 : i32
          %sub3A_150 = arith.subi %add3A_148, %sub3A_149 : i32
          %dma_start3A_151 = arith.constant 1 : i32
          %dma_start3A_152 = arith.constant 0 : i32
          %dma_start3A_153 = arith.constant 0 : i32
          %dma_start3A_154 = tpu.memref_slice %arg9[%dma_start3A_151, %dma_start3A_152, %dma_start3A_153] : memref<4x64x128xf32, #tpu.memory_space<vmem>> -> memref<1x64x128xf32, #tpu.memory_space<vmem>>
          %dma_start3A_155 = tpu.memref_squeeze %dma_start3A_154 : memref<1x64x128xf32, #tpu.memory_space<vmem>> -> memref<64x128xf32, #tpu.memory_space<vmem>>
          %dma_start3A_156 = arith.constant 0 : i32
          %dma_start3A_157 = tpu.memref_slice %arg7[%sub3A_150, %dma_start3A_156] : memref<40x64xi32, #tpu.memory_space<vmem>> -> memref<1x64xi32, #tpu.memory_space<vmem>>
          %dma_start3A_158 = tpu.memref_squeeze %dma_start3A_157 : memref<1x64xi32, #tpu.memory_space<vmem>> -> memref<64xi32, #tpu.memory_space<vmem>>
          %dma_start3A_159 = arith.constant 0 : i32
          %dma_start3A_160 = arith.constant 0 : i32
          %dma_start3A_161 = tpu.memref_slice %arg2[%dma_start3A_159, %dma_start3A_160] : memref<10000x128xf32, #tpu.memory_space<hbm>> -> memref<10000x128xf32, #tpu.memory_space<hbm>>
          tpu.enqueue_indirect_dma source(%dma_start3A_161 : memref<10000x128xf32, #tpu.memory_space<hbm>>) target(%dma_start3A_155 : memref<64x128xf32, #tpu.memory_space<vmem>>) offsets(%dma_start3A_158 : memref<64xi32, #tpu.memory_space<vmem>>) semaphore(%arg12 : memref<!tpu.dma_semaphore, #tpu.memory_space<semaphore_mem>>)
        } else {
        }
        %run_scoped3A_123 = arith.constant 2 : i32
        "tpu.region"() ({
          %run_scoped3A_147 = tpu.sem_alloc : memref<!tpu.dma_semaphore, #tpu.memory_space<semaphore_mem>>
          %dma_start3A_148 = arith.constant 0 : i32
          %dma_start3A_149 = arith.constant 0 : i32
          %dma_start3A_150 = tpu.memref_slice %arg9[%run_scoped3A_123, %dma_start3A_148, %dma_start3A_149] : memref<4x64x128xf32, #tpu.memory_space<vmem>> -> memref<1x64x128xf32, #tpu.memory_space<vmem>>
          %dma_start3A_151 = tpu.memref_squeeze %dma_start3A_150 : memref<1x64x128xf32, #tpu.memory_space<vmem>> -> memref<64x128xf32, #tpu.memory_space<vmem>>
          %dma_start3A_152 = arith.constant 0 : i32
          %dma_start3A_153 = tpu.memref_slice %arg8[%add3A_102, %dma_start3A_152] : memref<40x64xi32, #tpu.memory_space<vmem>> -> memref<1x64xi32, #tpu.memory_space<vmem>>
          %dma_start3A_154 = tpu.memref_squeeze %dma_start3A_153 : memref<1x64xi32, #tpu.memory_space<vmem>> -> memref<64xi32, #tpu.memory_space<vmem>>
          %dma_start3A_155 = arith.constant 0 : i32
          %dma_start3A_156 = arith.constant 0 : i32
          %dma_start3A_157 = tpu.memref_slice %arg10[%dma_start3A_155, %dma_start3A_156] : memref<10112x128xf32, #tpu.memory_space<vmem_shared>> -> memref<10112x128xf32, #tpu.memory_space<vmem_shared>>
          tpu.enqueue_indirect_dma source(%dma_start3A_151 : memref<64x128xf32, #tpu.memory_space<vmem>>) target(%dma_start3A_157 : memref<10112x128xf32, #tpu.memory_space<vmem_shared>>) offsets(%dma_start3A_154 : memref<64xi32, #tpu.memory_space<vmem>>) semaphore(%run_scoped3A_147 : memref<!tpu.dma_semaphore, #tpu.memory_space<semaphore_mem>>) {add = true}
          %dma_wait3A_158 = arith.constant 0 : i32
          %dma_wait3A_159 = arith.constant 0 : i32
          %dma_wait3A_160 = tpu.memref_slice %arg9[%run_scoped3A_123, %dma_wait3A_158, %dma_wait3A_159] : memref<4x64x128xf32, #tpu.memory_space<vmem>> -> memref<1x64x128xf32, #tpu.memory_space<vmem>>
          %dma_wait3A_161 = tpu.memref_squeeze %dma_wait3A_160 : memref<1x64x128xf32, #tpu.memory_space<vmem>> -> memref<64x128xf32, #tpu.memory_space<vmem>>
          %dma_wait3A_162 = arith.constant 0 : i32
          %dma_wait3A_163 = tpu.memref_slice %arg8[%add3A_102, %dma_wait3A_162] : memref<40x64xi32, #tpu.memory_space<vmem>> -> memref<1x64xi32, #tpu.memory_space<vmem>>
          %dma_wait3A_164 = tpu.memref_squeeze %dma_wait3A_163 : memref<1x64xi32, #tpu.memory_space<vmem>> -> memref<64xi32, #tpu.memory_space<vmem>>
          %dma_wait3A_165 = arith.constant 0 : i32
          %dma_wait3A_166 = arith.constant 0 : i32
          %dma_wait3A_167 = tpu.memref_slice %arg10[%dma_wait3A_165, %dma_wait3A_166] : memref<10112x128xf32, #tpu.memory_space<vmem_shared>> -> memref<10112x128xf32, #tpu.memory_space<vmem_shared>>
          tpu.wait_indirect_dma semaphore(%run_scoped3A_147 : memref<!tpu.dma_semaphore, #tpu.memory_space<semaphore_mem>>) src(%dma_wait3A_161 : memref<64x128xf32, #tpu.memory_space<vmem>>) dst(%dma_wait3A_167 : memref<10112x128xf32, #tpu.memory_space<vmem_shared>>)
          tpu.yield
        }) : () -> ()
        %add3A_124 = arith.constant 3 : i32
        %add3A_125 = arith.addi %mul3A_60, %add3A_124 : i32
        %dma_wait3A_126 = arith.constant 3 : i32
        %dma_wait3A_127 = arith.constant 0 : i32
        %dma_wait3A_128 = arith.constant 0 : i32
        %dma_wait3A_129 = tpu.memref_slice %arg9[%dma_wait3A_126, %dma_wait3A_127, %dma_wait3A_128] : memref<4x64x128xf32, #tpu.memory_space<vmem>> -> memref<1x64x128xf32, #tpu.memory_space<vmem>>
        %dma_wait3A_130 = tpu.memref_squeeze %dma_wait3A_129 : memref<1x64x128xf32, #tpu.memory_space<vmem>> -> memref<64x128xf32, #tpu.memory_space<vmem>>
        %dma_wait3A_131 = arith.constant 0 : i32
        %dma_wait3A_132 = tpu.memref_slice %arg7[%add3A_125, %dma_wait3A_131] : memref<40x64xi32, #tpu.memory_space<vmem>> -> memref<1x64xi32, #tpu.memory_space<vmem>>
        %dma_wait3A_133 = tpu.memref_squeeze %dma_wait3A_132 : memref<1x64xi32, #tpu.memory_space<vmem>> -> memref<64xi32, #tpu.memory_space<vmem>>
        %dma_wait3A_134 = arith.constant 0 : i32
        %dma_wait3A_135 = arith.constant 0 : i32
        %dma_wait3A_136 = tpu.memref_slice %arg2[%dma_wait3A_134, %dma_wait3A_135] : memref<10000x128xf32, #tpu.memory_space<hbm>> -> memref<10000x128xf32, #tpu.memory_space<hbm>>
        tpu.wait_indirect_dma semaphore(%arg14 : memref<!tpu.dma_semaphore, #tpu.memory_space<semaphore_mem>>) src(%dma_wait3A_136 : memref<10000x128xf32, #tpu.memory_space<hbm>>) dst(%dma_wait3A_130 : memref<64x128xf32, #tpu.memory_space<vmem>>)
        %add3A_137 = arith.constant 4 : i32
        %add3A_138 = arith.addi %add3A_125, %add3A_137 : i32
        %sub3A_139 = arith.constant 1 : i32
        %sub3A_140 = arith.subi %add3A_138, %sub3A_139 : i32
        %lt3A_141 = arith.constant 40 : i32
        %lt3A_142 = arith.cmpi slt, %sub3A_140, %lt3A_141 : i32
        %convert_element_type3A_143 = arith.extui %lt3A_142 : i1 to i32
        %cond3A_144 = arith.constant 0 : i32
        %cond3A_145 = arith.cmpi ne, %convert_element_type3A_143, %cond3A_144 : i32
        scf.if %cond3A_145 {
          %add3A_147 = arith.constant 4 : i32
          %add3A_148 = arith.addi %add3A_125, %add3A_147 : i32
          %sub3A_149 = arith.constant 1 : i32
          %sub3A_150 = arith.subi %add3A_148, %sub3A_149 : i32
          %dma_start3A_151 = arith.constant 2 : i32
          %dma_start3A_152 = arith.constant 0 : i32
          %dma_start3A_153 = arith.constant 0 : i32
          %dma_start3A_154 = tpu.memref_slice %arg9[%dma_start3A_151, %dma_start3A_152, %dma_start3A_153] : memref<4x64x128xf32, #tpu.memory_space<vmem>> -> memref<1x64x128xf32, #tpu.memory_space<vmem>>
          %dma_start3A_155 = tpu.memref_squeeze %dma_start3A_154 : memref<1x64x128xf32, #tpu.memory_space<vmem>> -> memref<64x128xf32, #tpu.memory_space<vmem>>
          %dma_start3A_156 = arith.constant 0 : i32
          %dma_start3A_157 = tpu.memref_slice %arg7[%sub3A_150, %dma_start3A_156] : memref<40x64xi32, #tpu.memory_space<vmem>> -> memref<1x64xi32, #tpu.memory_space<vmem>>
          %dma_start3A_158 = tpu.memref_squeeze %dma_start3A_157 : memref<1x64xi32, #tpu.memory_space<vmem>> -> memref<64xi32, #tpu.memory_space<vmem>>
          %dma_start3A_159 = arith.constant 0 : i32
          %dma_start3A_160 = arith.constant 0 : i32
          %dma_start3A_161 = tpu.memref_slice %arg2[%dma_start3A_159, %dma_start3A_160] : memref<10000x128xf32, #tpu.memory_space<hbm>> -> memref<10000x128xf32, #tpu.memory_space<hbm>>
          tpu.enqueue_indirect_dma source(%dma_start3A_161 : memref<10000x128xf32, #tpu.memory_space<hbm>>) target(%dma_start3A_155 : memref<64x128xf32, #tpu.memory_space<vmem>>) offsets(%dma_start3A_158 : memref<64xi32, #tpu.memory_space<vmem>>) semaphore(%arg13 : memref<!tpu.dma_semaphore, #tpu.memory_space<semaphore_mem>>)
        } else {
        }
        %run_scoped3A_146 = arith.constant 3 : i32
        "tpu.region"() ({
          %run_scoped3A_147 = tpu.sem_alloc : memref<!tpu.dma_semaphore, #tpu.memory_space<semaphore_mem>>
          %dma_start3A_148 = arith.constant 0 : i32
          %dma_start3A_149 = arith.constant 0 : i32
          %dma_start3A_150 = tpu.memref_slice %arg9[%run_scoped3A_146, %dma_start3A_148, %dma_start3A_149] : memref<4x64x128xf32, #tpu.memory_space<vmem>> -> memref<1x64x128xf32, #tpu.memory_space<vmem>>
          %dma_start3A_151 = tpu.memref_squeeze %dma_start3A_150 : memref<1x64x128xf32, #tpu.memory_space<vmem>> -> memref<64x128xf32, #tpu.memory_space<vmem>>
          %dma_start3A_152 = arith.constant 0 : i32
          %dma_start3A_153 = tpu.memref_slice %arg8[%add3A_125, %dma_start3A_152] : memref<40x64xi32, #tpu.memory_space<vmem>> -> memref<1x64xi32, #tpu.memory_space<vmem>>
          %dma_start3A_154 = tpu.memref_squeeze %dma_start3A_153 : memref<1x64xi32, #tpu.memory_space<vmem>> -> memref<64xi32, #tpu.memory_space<vmem>>
          %dma_start3A_155 = arith.constant 0 : i32
          %dma_start3A_156 = arith.constant 0 : i32
          %dma_start3A_157 = tpu.memref_slice %arg10[%dma_start3A_155, %dma_start3A_156] : memref<10112x128xf32, #tpu.memory_space<vmem_shared>> -> memref<10112x128xf32, #tpu.memory_space<vmem_shared>>
          tpu.enqueue_indirect_dma source(%dma_start3A_151 : memref<64x128xf32, #tpu.memory_space<vmem>>) target(%dma_start3A_157 : memref<10112x128xf32, #tpu.memory_space<vmem_shared>>) offsets(%dma_start3A_154 : memref<64xi32, #tpu.memory_space<vmem>>) semaphore(%run_scoped3A_147 : memref<!tpu.dma_semaphore, #tpu.memory_space<semaphore_mem>>) {add = true}
          %dma_wait3A_158 = arith.constant 0 : i32
          %dma_wait3A_159 = arith.constant 0 : i32
          %dma_wait3A_160 = tpu.memref_slice %arg9[%run_scoped3A_146, %dma_wait3A_158, %dma_wait3A_159] : memref<4x64x128xf32, #tpu.memory_space<vmem>> -> memref<1x64x128xf32, #tpu.memory_space<vmem>>
          %dma_wait3A_161 = tpu.memref_squeeze %dma_wait3A_160 : memref<1x64x128xf32, #tpu.memory_space<vmem>> -> memref<64x128xf32, #tpu.memory_space<vmem>>
          %dma_wait3A_162 = arith.constant 0 : i32
          %dma_wait3A_163 = tpu.memref_slice %arg8[%add3A_125, %dma_wait3A_162] : memref<40x64xi32, #tpu.memory_space<vmem>> -> memref<1x64xi32, #tpu.memory_space<vmem>>
          %dma_wait3A_164 = tpu.memref_squeeze %dma_wait3A_163 : memref<1x64xi32, #tpu.memory_space<vmem>> -> memref<64xi32, #tpu.memory_space<vmem>>
          %dma_wait3A_165 = arith.constant 0 : i32
          %dma_wait3A_166 = arith.constant 0 : i32
          %dma_wait3A_167 = tpu.memref_slice %arg10[%dma_wait3A_165, %dma_wait3A_166] : memref<10112x128xf32, #tpu.memory_space<vmem_shared>> -> memref<10112x128xf32, #tpu.memory_space<vmem_shared>>
          tpu.wait_indirect_dma semaphore(%run_scoped3A_147 : memref<!tpu.dma_semaphore, #tpu.memory_space<semaphore_mem>>) src(%dma_wait3A_161 : memref<64x128xf32, #tpu.memory_space<vmem>>) dst(%dma_wait3A_167 : memref<10112x128xf32, #tpu.memory_space<vmem_shared>>)
          tpu.yield
        }) : () -> ()
      }
      %scan3A_57 = arith.constant 10 : i32
    }
    %scan3A_9 = arith.constant 4 : i32
    %barrier3A_10 = arith.constant 0 : index
    tpu.barrier barrier_id(%barrier3A_10)
    %mul3A_11 = arith.constant 632 : i32
    %mul3A_12 = arith.muli %arg1, %mul3A_11 : i32
    "tpu.region"() ({
      %run_scoped3A = tpu.sem_alloc : memref<!tpu.dma_semaphore, #tpu.memory_space<semaphore_mem>>
      %dma_start3A = arith.constant 0 : i32
      %dma_start3A_13 = tpu.memref_slice %arg6[%arg0, %mul3A_12, %dma_start3A] : memref<2x10112x128xf32, #tpu.memory_space<hbm>> -> memref<1x632x128xf32, #tpu.memory_space<hbm>>
      %dma_start3A_14 = tpu.memref_squeeze %dma_start3A_13 : memref<1x632x128xf32, #tpu.memory_space<hbm>> -> memref<632x128xf32, #tpu.memory_space<hbm>>
      %dma_start3A_15 = arith.constant 0 : i32
      %dma_start3A_16 = tpu.memref_slice %arg10[%mul3A_12, %dma_start3A_15] : memref<10112x128xf32, #tpu.memory_space<vmem_shared>> -> memref<632x128xf32, #tpu.memory_space<vmem_shared>>
      tpu.enqueue_dma source(%dma_start3A_16 : memref<632x128xf32, #tpu.memory_space<vmem_shared>>) target(%dma_start3A_14 : memref<632x128xf32, #tpu.memory_space<hbm>>) target_semaphore(%run_scoped3A : memref<!tpu.dma_semaphore, #tpu.memory_space<semaphore_mem>>)
      %dma_wait3A = arith.constant 0 : i32
      %dma_wait3A_17 = tpu.memref_slice %arg6[%arg0, %mul3A_12, %dma_wait3A] : memref<2x10112x128xf32, #tpu.memory_space<hbm>> -> memref<1x632x128xf32, #tpu.memory_space<hbm>>
      %dma_wait3A_18 = tpu.memref_squeeze %dma_wait3A_17 : memref<1x632x128xf32, #tpu.memory_space<hbm>> -> memref<632x128xf32, #tpu.memory_space<hbm>>
      %dma_wait3A_19 = arith.constant 0 : i32
      %dma_wait3A_20 = tpu.memref_slice %arg10[%mul3A_12, %dma_wait3A_19] : memref<10112x128xf32, #tpu.memory_space<vmem_shared>> -> memref<632x128xf32, #tpu.memory_space<vmem_shared>>
      tpu.wait_dma2 semaphore(%run_scoped3A : memref<!tpu.dma_semaphore, #tpu.memory_space<semaphore_mem>>) src(%dma_wait3A_20 : memref<632x128xf32, #tpu.memory_space<vmem_shared>>) dst(%dma_wait3A_18 : memref<632x128xf32, #tpu.memory_space<hbm>>)
      tpu.yield
    }) : () -> ()
    return
  }
}

#map = affine_map<(d0, d1) -> (0, 0)>
#map1 = affine_map<(d0, d1) -> (0, 0, 0)>
module attributes {stable_mosaic.version = 14 : i64} {
  func.func @_aggregate_kernel(%arg0: i32, %arg1: i32, %arg2: memref<10000x128xf32, #tpu.memory_space<hbm>>, %arg3: memref<5120x64xi32, #tpu.memory_space<hbm>>, %arg4: memref<5120x64xi32, #tpu.memory_space<hbm>>, %arg5: memref<632x128xf32, #tpu.memory_space<hbm>>, %arg6: memref<2x10112x128xf32, #tpu.memory_space<hbm>>, %arg7: memref<40x64xi32, #tpu.memory_space<vmem>>, %arg8: memref<40x64xi32, #tpu.memory_space<vmem>>, %arg9: memref<4x64x128xf32, #tpu.memory_space<vmem>>, %arg10: memref<10112x128xf32, #tpu.memory_space<vmem_shared>>, %arg11: memref<!tpu.dma_semaphore, #tpu.memory_space<semaphore_mem>>, %arg12: memref<!tpu.dma_semaphore, #tpu.memory_space<semaphore_mem>>, %arg13: memref<!tpu.dma_semaphore, #tpu.memory_space<semaphore_mem>>, %arg14: memref<!tpu.dma_semaphore, #tpu.memory_space<semaphore_mem>>) attributes {dimension_semantics = [#tpu.dimension_semantics<core_parallel>, #tpu.dimension_semantics<subcore_parallel>], iteration_bounds = array<i64: 2, 16>, scalar_prefetch = 0 : i64, scratch_operands = 8 : i64, tpu.core_type = #tpu.core_type<sc_vector_subcore>, window_params = [{transform_indices = #map}, {transform_indices = #map}, {transform_indices = #map}, {transform_indices = #map}, {transform_indices = #map1}]} {
    %mul3A = arith.constant 632 : i32
    %mul3A_0 = arith.muli %arg1, %mul3A : i32
    "tpu.region"() ({
      %run_scoped3A = tpu.sem_alloc : memref<!tpu.dma_semaphore, #tpu.memory_space<semaphore_mem>>
      %dma_start3A = arith.constant 0 : i32
      %dma_start3A_13 = tpu.memref_slice %arg10[%mul3A_0, %dma_start3A] : memref<10112x128xf32, #tpu.memory_space<vmem_shared>> -> memref<632x128xf32, #tpu.memory_space<vmem_shared>>
      tpu.enqueue_dma source(%arg5 : memref<632x128xf32, #tpu.memory_space<hbm>>) target(%dma_start3A_13 : memref<632x128xf32, #tpu.memory_space<vmem_shared>>) target_semaphore(%run_scoped3A : memref<!tpu.dma_semaphore, #tpu.memory_space<semaphore_mem>>)
      %dma_wait3A = arith.constant 0 : i32
      %dma_wait3A_14 = tpu.memref_slice %arg10[%mul3A_0, %dma_wait3A] : memref<10112x128xf32, #tpu.memory_space<vmem_shared>> -> memref<632x128xf32, #tpu.memory_space<vmem_shared>>
      tpu.wait_dma2 semaphore(%run_scoped3A : memref<!tpu.dma_semaphore, #tpu.memory_space<semaphore_mem>>) src(%arg5 : memref<632x128xf32, #tpu.memory_space<hbm>>) dst(%dma_wait3A_14 : memref<632x128xf32, #tpu.memory_space<vmem_shared>>)
      tpu.yield
    }) : () -> ()
    %barrier3A = arith.constant 0 : index
    tpu.barrier barrier_id(%barrier3A)
    %mul3A_1 = arith.constant 2 : i32
    %mul3A_2 = arith.muli %arg1, %mul3A_1 : i32
    %add3A = arith.addi %mul3A_2, %arg0 : i32
    %mul3A_3 = arith.constant 160 : i32
    %mul3A_4 = arith.muli %add3A, %mul3A_3 : i32
    %scan3A = arith.constant 0 : i32
    %scan3A_5 = arith.constant 0 : i32
    %scan3A_6 = arith.constant 4 : i32
    %scan3A_7 = arith.addi %scan3A_5, %scan3A_6 : i32
    %scan3A_8 = arith.constant 1 : i32
    scf.for %scan3A_13 = %scan3A_5 to %scan3A_7 step %scan3A_8  : i32 {
      %mul3A_14 = arith.constant 40 : i32
      %mul3A_15 = arith.muli %scan3A_13, %mul3A_14 : i32
      %add3A_16 = arith.addi %mul3A_4, %mul3A_15 : i32
      "tpu.region"() ({
        %run_scoped3A = tpu.sem_alloc : memref<!tpu.dma_semaphore, #tpu.memory_space<semaphore_mem>>
        %dma_start3A_58 = arith.constant 0 : i32
        %dma_start3A_59 = tpu.memref_slice %arg3[%add3A_16, %dma_start3A_58] : memref<5120x64xi32, #tpu.memory_space<hbm>> -> memref<40x64xi32, #tpu.memory_space<hbm>>
        %dma_start3A_60 = arith.constant 0 : i32
        %dma_start3A_61 = tpu.memref_slice %arg3[%add3A_16, %dma_start3A_60] : memref<5120x64xi32, #tpu.memory_space<hbm>> -> memref<40x64xi32, #tpu.memory_space<hbm>>
        tpu.enqueue_dma source(%dma_start3A_61 : memref<40x64xi32, #tpu.memory_space<hbm>>) target(%arg7 : memref<40x64xi32, #tpu.memory_space<vmem>>) target_semaphore(%run_scoped3A : memref<!tpu.dma_semaphore, #tpu.memory_space<semaphore_mem>>)
        %dma_wait3A = arith.constant 0 : i32
        %dma_wait3A_62 = tpu.memref_slice %arg3[%add3A_16, %dma_wait3A] : memref<5120x64xi32, #tpu.memory_space<hbm>> -> memref<40x64xi32, #tpu.memory_space<hbm>>
        %dma_wait3A_63 = arith.constant 0 : i32
        %dma_wait3A_64 = tpu.memref_slice %arg3[%add3A_16, %dma_wait3A_63] : memref<5120x64xi32, #tpu.memory_space<hbm>> -> memref<40x64xi32, #tpu.memory_space<hbm>>
        tpu.wait_dma2 semaphore(%run_scoped3A : memref<!tpu.dma_semaphore, #tpu.memory_space<semaphore_mem>>) src(%dma_wait3A_64 : memref<40x64xi32, #tpu.memory_space<hbm>>) dst(%arg7 : memref<40x64xi32, #tpu.memory_space<vmem>>)
        tpu.yield
      }) : () -> ()
      "tpu.region"() ({
        %run_scoped3A = tpu.sem_alloc : memref<!tpu.dma_semaphore, #tpu.memory_space<semaphore_mem>>
        %dma_start3A_58 = arith.constant 0 : i32
        %dma_start3A_59 = tpu.memref_slice %arg4[%add3A_16, %dma_start3A_58] : memref<5120x64xi32, #tpu.memory_space<hbm>> -> memref<40x64xi32, #tpu.memory_space<hbm>>
        %dma_start3A_60 = arith.constant 0 : i32
        %dma_start3A_61 = tpu.memref_slice %arg4[%add3A_16, %dma_start3A_60] : memref<5120x64xi32, #tpu.memory_space<hbm>> -> memref<40x64xi32, #tpu.memory_space<hbm>>
        tpu.enqueue_dma source(%dma_start3A_61 : memref<40x64xi32, #tpu.memory_space<hbm>>) target(%arg8 : memref<40x64xi32, #tpu.memory_space<vmem>>) target_semaphore(%run_scoped3A : memref<!tpu.dma_semaphore, #tpu.memory_space<semaphore_mem>>)
        %dma_wait3A = arith.constant 0 : i32
        %dma_wait3A_62 = tpu.memref_slice %arg4[%add3A_16, %dma_wait3A] : memref<5120x64xi32, #tpu.memory_space<hbm>> -> memref<40x64xi32, #tpu.memory_space<hbm>>
        %dma_wait3A_63 = arith.constant 0 : i32
        %dma_wait3A_64 = tpu.memref_slice %arg4[%add3A_16, %dma_wait3A_63] : memref<5120x64xi32, #tpu.memory_space<hbm>> -> memref<40x64xi32, #tpu.memory_space<hbm>>
        tpu.wait_dma2 semaphore(%run_scoped3A : memref<!tpu.dma_semaphore, #tpu.memory_space<semaphore_mem>>) src(%dma_wait3A_64 : memref<40x64xi32, #tpu.memory_space<hbm>>) dst(%arg8 : memref<40x64xi32, #tpu.memory_space<vmem>>)
        tpu.yield
      }) : () -> ()
      %dma_start3A = arith.constant 0 : i32
      %dma_start3A_17 = arith.constant 0 : i32
      %dma_start3A_18 = arith.constant 0 : i32
      %dma_start3A_19 = arith.constant 0 : i32
      %dma_start3A_20 = tpu.memref_slice %arg9[%dma_start3A_17, %dma_start3A_18, %dma_start3A_19] : memref<4x64x128xf32, #tpu.memory_space<vmem>> -> memref<1x64x128xf32, #tpu.memory_space<vmem>>
      %dma_start3A_21 = tpu.memref_squeeze %dma_start3A_20 : memref<1x64x128xf32, #tpu.memory_space<vmem>> -> memref<64x128xf32, #tpu.memory_space<vmem>>
      %dma_start3A_22 = arith.constant 0 : i32
      %dma_start3A_23 = tpu.memref_slice %arg7[%dma_start3A, %dma_start3A_22] : memref<40x64xi32, #tpu.memory_space<vmem>> -> memref<1x64xi32, #tpu.memory_space<vmem>>
      %dma_start3A_24 = tpu.memref_squeeze %dma_start3A_23 : memref<1x64xi32, #tpu.memory_space<vmem>> -> memref<64xi32, #tpu.memory_space<vmem>>
      %dma_start3A_25 = arith.constant 0 : i32
      %dma_start3A_26 = arith.constant 0 : i32
      %dma_start3A_27 = tpu.memref_slice %arg2[%dma_start3A_25, %dma_start3A_26] : memref<10000x128xf32, #tpu.memory_space<hbm>> -> memref<10000x128xf32, #tpu.memory_space<hbm>>
      tpu.enqueue_indirect_dma source(%dma_start3A_27 : memref<10000x128xf32, #tpu.memory_space<hbm>>) target(%dma_start3A_21 : memref<64x128xf32, #tpu.memory_space<vmem>>) offsets(%dma_start3A_24 : memref<64xi32, #tpu.memory_space<vmem>>) semaphore(%arg11 : memref<!tpu.dma_semaphore, #tpu.memory_space<semaphore_mem>>)
      %dma_start3A_28 = arith.constant 1 : i32
      %dma_start3A_29 = arith.constant 1 : i32
      %dma_start3A_30 = arith.constant 0 : i32
      %dma_start3A_31 = arith.constant 0 : i32
      %dma_start3A_32 = tpu.memref_slice %arg9[%dma_start3A_29, %dma_start3A_30, %dma_start3A_31] : memref<4x64x128xf32, #tpu.memory_space<vmem>> -> memref<1x64x128xf32, #tpu.memory_space<vmem>>
      %dma_start3A_33 = tpu.memref_squeeze %dma_start3A_32 : memref<1x64x128xf32, #tpu.memory_space<vmem>> -> memref<64x128xf32, #tpu.memory_space<vmem>>
      %dma_start3A_34 = arith.constant 0 : i32
      %dma_start3A_35 = tpu.memref_slice %arg7[%dma_start3A_28, %dma_start3A_34] : memref<40x64xi32, #tpu.memory_space<vmem>> -> memref<1x64xi32, #tpu.memory_space<vmem>>
      %dma_start3A_36 = tpu.memref_squeeze %dma_start3A_35 : memref<1x64xi32, #tpu.memory_space<vmem>> -> memref<64xi32, #tpu.memory_space<vmem>>
      %dma_start3A_37 = arith.constant 0 : i32
      %dma_start3A_38 = arith.constant 0 : i32
      %dma_start3A_39 = tpu.memref_slice %arg2[%dma_start3A_37, %dma_start3A_38] : memref<10000x128xf32, #tpu.memory_space<hbm>> -> memref<10000x128xf32, #tpu.memory_space<hbm>>
      tpu.enqueue_indirect_dma source(%dma_start3A_39 : memref<10000x128xf32, #tpu.memory_space<hbm>>) target(%dma_start3A_33 : memref<64x128xf32, #tpu.memory_space<vmem>>) offsets(%dma_start3A_36 : memref<64xi32, #tpu.memory_space<vmem>>) semaphore(%arg12 : memref<!tpu.dma_semaphore, #tpu.memory_space<semaphore_mem>>)
      %dma_start3A_40 = arith.constant 2 : i32
      %dma_start3A_41 = arith.constant 2 : i32
      %dma_start3A_42 = arith.constant 0 : i32
      %dma_start3A_43 = arith.constant 0 : i32
      %dma_start3A_44 = tpu.memref_slice %arg9[%dma_start3A_41, %dma_start3A_42, %dma_start3A_43] : memref<4x64x128xf32, #tpu.memory_space<vmem>> -> memref<1x64x128xf32, #tpu.memory_space<vmem>>
      %dma_start3A_45 = tpu.memref_squeeze %dma_start3A_44 : memref<1x64x128xf32, #tpu.memory_space<vmem>> -> memref<64x128xf32, #tpu.memory_space<vmem>>
      %dma_start3A_46 = arith.constant 0 : i32
      %dma_start3A_47 = tpu.memref_slice %arg7[%dma_start3A_40, %dma_start3A_46] : memref<40x64xi32, #tpu.memory_space<vmem>> -> memref<1x64xi32, #tpu.memory_space<vmem>>
      %dma_start3A_48 = tpu.memref_squeeze %dma_start3A_47 : memref<1x64xi32, #tpu.memory_space<vmem>> -> memref<64xi32, #tpu.memory_space<vmem>>
      %dma_start3A_49 = arith.constant 0 : i32
      %dma_start3A_50 = arith.constant 0 : i32
      %dma_start3A_51 = tpu.memref_slice %arg2[%dma_start3A_49, %dma_start3A_50] : memref<10000x128xf32, #tpu.memory_space<hbm>> -> memref<10000x128xf32, #tpu.memory_space<hbm>>
      tpu.enqueue_indirect_dma source(%dma_start3A_51 : memref<10000x128xf32, #tpu.memory_space<hbm>>) target(%dma_start3A_45 : memref<64x128xf32, #tpu.memory_space<vmem>>) offsets(%dma_start3A_48 : memref<64xi32, #tpu.memory_space<vmem>>) semaphore(%arg13 : memref<!tpu.dma_semaphore, #tpu.memory_space<semaphore_mem>>)
      %scan3A_52 = arith.constant 0 : i32
      %scan3A_53 = arith.constant 0 : i32
      %scan3A_54 = arith.constant 10 : i32
      %scan3A_55 = arith.addi %scan3A_53, %scan3A_54 : i32
      %scan3A_56 = arith.constant 1 : i32
      scf.for %scan3A_58 = %scan3A_53 to %scan3A_55 step %scan3A_56  : i32 {
        %mul3A_59 = arith.constant 4 : i32
        %mul3A_60 = arith.muli %mul3A_59, %scan3A_58 : i32
        %add3A_61 = arith.constant 0 : i32
        %add3A_62 = arith.addi %mul3A_60, %add3A_61 : i32
        %dma_wait3A = arith.constant 0 : i32
        %dma_wait3A_63 = arith.constant 0 : i32
        %dma_wait3A_64 = arith.constant 0 : i32
        %dma_wait3A_65 = tpu.memref_slice %arg9[%dma_wait3A, %dma_wait3A_63, %dma_wait3A_64] : memref<4x64x128xf32, #tpu.memory_space<vmem>> -> memref<1x64x128xf32, #tpu.memory_space<vmem>>
        %dma_wait3A_66 = tpu.memref_squeeze %dma_wait3A_65 : memref<1x64x128xf32, #tpu.memory_space<vmem>> -> memref<64x128xf32, #tpu.memory_space<vmem>>
        %dma_wait3A_67 = arith.constant 0 : i32
        %dma_wait3A_68 = tpu.memref_slice %arg7[%add3A_62, %dma_wait3A_67] : memref<40x64xi32, #tpu.memory_space<vmem>> -> memref<1x64xi32, #tpu.memory_space<vmem>>
        %dma_wait3A_69 = tpu.memref_squeeze %dma_wait3A_68 : memref<1x64xi32, #tpu.memory_space<vmem>> -> memref<64xi32, #tpu.memory_space<vmem>>
        %dma_wait3A_70 = arith.constant 0 : i32
        %dma_wait3A_71 = arith.constant 0 : i32
        %dma_wait3A_72 = tpu.memref_slice %arg2[%dma_wait3A_70, %dma_wait3A_71] : memref<10000x128xf32, #tpu.memory_space<hbm>> -> memref<10000x128xf32, #tpu.memory_space<hbm>>
        tpu.wait_indirect_dma semaphore(%arg11 : memref<!tpu.dma_semaphore, #tpu.memory_space<semaphore_mem>>) src(%dma_wait3A_72 : memref<10000x128xf32, #tpu.memory_space<hbm>>) dst(%dma_wait3A_66 : memref<64x128xf32, #tpu.memory_space<vmem>>)
        %add3A_73 = arith.constant 4 : i32
        %add3A_74 = arith.addi %add3A_62, %add3A_73 : i32
        %sub3A = arith.constant 1 : i32
        %sub3A_75 = arith.subi %add3A_74, %sub3A : i32
        %lt3A = arith.constant 40 : i32
        %lt3A_76 = arith.cmpi slt, %sub3A_75, %lt3A : i32
        %convert_element_type3A = arith.extui %lt3A_76 : i1 to i32
        %cond3A = arith.constant 0 : i32
        %cond3A_77 = arith.cmpi ne, %convert_element_type3A, %cond3A : i32
        scf.if %cond3A_77 {
          %add3A_147 = arith.constant 4 : i32
          %add3A_148 = arith.addi %add3A_62, %add3A_147 : i32
          %sub3A_149 = arith.constant 1 : i32
          %sub3A_150 = arith.subi %add3A_148, %sub3A_149 : i32
          %dma_start3A_151 = arith.constant 3 : i32
          %dma_start3A_152 = arith.constant 0 : i32
          %dma_start3A_153 = arith.constant 0 : i32
          %dma_start3A_154 = tpu.memref_slice %arg9[%dma_start3A_151, %dma_start3A_152, %dma_start3A_153] : memref<4x64x128xf32, #tpu.memory_space<vmem>> -> memref<1x64x128xf32, #tpu.memory_space<vmem>>
          %dma_start3A_155 = tpu.memref_squeeze %dma_start3A_154 : memref<1x64x128xf32, #tpu.memory_space<vmem>> -> memref<64x128xf32, #tpu.memory_space<vmem>>
          %dma_start3A_156 = arith.constant 0 : i32
          %dma_start3A_157 = tpu.memref_slice %arg7[%sub3A_150, %dma_start3A_156] : memref<40x64xi32, #tpu.memory_space<vmem>> -> memref<1x64xi32, #tpu.memory_space<vmem>>
          %dma_start3A_158 = tpu.memref_squeeze %dma_start3A_157 : memref<1x64xi32, #tpu.memory_space<vmem>> -> memref<64xi32, #tpu.memory_space<vmem>>
          %dma_start3A_159 = arith.constant 0 : i32
          %dma_start3A_160 = arith.constant 0 : i32
          %dma_start3A_161 = tpu.memref_slice %arg2[%dma_start3A_159, %dma_start3A_160] : memref<10000x128xf32, #tpu.memory_space<hbm>> -> memref<10000x128xf32, #tpu.memory_space<hbm>>
          tpu.enqueue_indirect_dma source(%dma_start3A_161 : memref<10000x128xf32, #tpu.memory_space<hbm>>) target(%dma_start3A_155 : memref<64x128xf32, #tpu.memory_space<vmem>>) offsets(%dma_start3A_158 : memref<64xi32, #tpu.memory_space<vmem>>) semaphore(%arg14 : memref<!tpu.dma_semaphore, #tpu.memory_space<semaphore_mem>>)
        } else {
        }
        %run_scoped3A = arith.constant 0 : i32
        "tpu.region"() ({
          %run_scoped3A_147 = tpu.sem_alloc : memref<!tpu.dma_semaphore, #tpu.memory_space<semaphore_mem>>
          %dma_start3A_148 = arith.constant 0 : i32
          %dma_start3A_149 = arith.constant 0 : i32
          %dma_start3A_150 = tpu.memref_slice %arg9[%run_scoped3A, %dma_start3A_148, %dma_start3A_149] : memref<4x64x128xf32, #tpu.memory_space<vmem>> -> memref<1x64x128xf32, #tpu.memory_space<vmem>>
          %dma_start3A_151 = tpu.memref_squeeze %dma_start3A_150 : memref<1x64x128xf32, #tpu.memory_space<vmem>> -> memref<64x128xf32, #tpu.memory_space<vmem>>
          %dma_start3A_152 = arith.constant 0 : i32
          %dma_start3A_153 = tpu.memref_slice %arg8[%add3A_62, %dma_start3A_152] : memref<40x64xi32, #tpu.memory_space<vmem>> -> memref<1x64xi32, #tpu.memory_space<vmem>>
          %dma_start3A_154 = tpu.memref_squeeze %dma_start3A_153 : memref<1x64xi32, #tpu.memory_space<vmem>> -> memref<64xi32, #tpu.memory_space<vmem>>
          %dma_start3A_155 = arith.constant 0 : i32
          %dma_start3A_156 = arith.constant 0 : i32
          %dma_start3A_157 = tpu.memref_slice %arg10[%dma_start3A_155, %dma_start3A_156] : memref<10112x128xf32, #tpu.memory_space<vmem_shared>> -> memref<10112x128xf32, #tpu.memory_space<vmem_shared>>
          tpu.enqueue_indirect_dma source(%dma_start3A_151 : memref<64x128xf32, #tpu.memory_space<vmem>>) target(%dma_start3A_157 : memref<10112x128xf32, #tpu.memory_space<vmem_shared>>) offsets(%dma_start3A_154 : memref<64xi32, #tpu.memory_space<vmem>>) semaphore(%run_scoped3A_147 : memref<!tpu.dma_semaphore, #tpu.memory_space<semaphore_mem>>) {add = true}
          %dma_wait3A_158 = arith.constant 0 : i32
          %dma_wait3A_159 = arith.constant 0 : i32
          %dma_wait3A_160 = tpu.memref_slice %arg9[%run_scoped3A, %dma_wait3A_158, %dma_wait3A_159] : memref<4x64x128xf32, #tpu.memory_space<vmem>> -> memref<1x64x128xf32, #tpu.memory_space<vmem>>
          %dma_wait3A_161 = tpu.memref_squeeze %dma_wait3A_160 : memref<1x64x128xf32, #tpu.memory_space<vmem>> -> memref<64x128xf32, #tpu.memory_space<vmem>>
          %dma_wait3A_162 = arith.constant 0 : i32
          %dma_wait3A_163 = tpu.memref_slice %arg8[%add3A_62, %dma_wait3A_162] : memref<40x64xi32, #tpu.memory_space<vmem>> -> memref<1x64xi32, #tpu.memory_space<vmem>>
          %dma_wait3A_164 = tpu.memref_squeeze %dma_wait3A_163 : memref<1x64xi32, #tpu.memory_space<vmem>> -> memref<64xi32, #tpu.memory_space<vmem>>
          %dma_wait3A_165 = arith.constant 0 : i32
          %dma_wait3A_166 = arith.constant 0 : i32
          %dma_wait3A_167 = tpu.memref_slice %arg10[%dma_wait3A_165, %dma_wait3A_166] : memref<10112x128xf32, #tpu.memory_space<vmem_shared>> -> memref<10112x128xf32, #tpu.memory_space<vmem_shared>>
          tpu.wait_indirect_dma semaphore(%run_scoped3A_147 : memref<!tpu.dma_semaphore, #tpu.memory_space<semaphore_mem>>) src(%dma_wait3A_161 : memref<64x128xf32, #tpu.memory_space<vmem>>) dst(%dma_wait3A_167 : memref<10112x128xf32, #tpu.memory_space<vmem_shared>>)
          tpu.yield
        }) : () -> ()
        %add3A_78 = arith.constant 1 : i32
        %add3A_79 = arith.addi %mul3A_60, %add3A_78 : i32
        %dma_wait3A_80 = arith.constant 1 : i32
        %dma_wait3A_81 = arith.constant 0 : i32
        %dma_wait3A_82 = arith.constant 0 : i32
        %dma_wait3A_83 = tpu.memref_slice %arg9[%dma_wait3A_80, %dma_wait3A_81, %dma_wait3A_82] : memref<4x64x128xf32, #tpu.memory_space<vmem>> -> memref<1x64x128xf32, #tpu.memory_space<vmem>>
        %dma_wait3A_84 = tpu.memref_squeeze %dma_wait3A_83 : memref<1x64x128xf32, #tpu.memory_space<vmem>> -> memref<64x128xf32, #tpu.memory_space<vmem>>
        %dma_wait3A_85 = arith.constant 0 : i32
        %dma_wait3A_86 = tpu.memref_slice %arg7[%add3A_79, %dma_wait3A_85] : memref<40x64xi32, #tpu.memory_space<vmem>> -> memref<1x64xi32, #tpu.memory_space<vmem>>
        %dma_wait3A_87 = tpu.memref_squeeze %dma_wait3A_86 : memref<1x64xi32, #tpu.memory_space<vmem>> -> memref<64xi32, #tpu.memory_space<vmem>>
        %dma_wait3A_88 = arith.constant 0 : i32
        %dma_wait3A_89 = arith.constant 0 : i32
        %dma_wait3A_90 = tpu.memref_slice %arg2[%dma_wait3A_88, %dma_wait3A_89] : memref<10000x128xf32, #tpu.memory_space<hbm>> -> memref<10000x128xf32, #tpu.memory_space<hbm>>
        tpu.wait_indirect_dma semaphore(%arg12 : memref<!tpu.dma_semaphore, #tpu.memory_space<semaphore_mem>>) src(%dma_wait3A_90 : memref<10000x128xf32, #tpu.memory_space<hbm>>) dst(%dma_wait3A_84 : memref<64x128xf32, #tpu.memory_space<vmem>>)
        %add3A_91 = arith.constant 4 : i32
        %add3A_92 = arith.addi %add3A_79, %add3A_91 : i32
        %sub3A_93 = arith.constant 1 : i32
        %sub3A_94 = arith.subi %add3A_92, %sub3A_93 : i32
        %lt3A_95 = arith.constant 40 : i32
        %lt3A_96 = arith.cmpi slt, %sub3A_94, %lt3A_95 : i32
        %convert_element_type3A_97 = arith.extui %lt3A_96 : i1 to i32
        %cond3A_98 = arith.constant 0 : i32
        %cond3A_99 = arith.cmpi ne, %convert_element_type3A_97, %cond3A_98 : i32
        scf.if %cond3A_99 {
          %add3A_147 = arith.constant 4 : i32
          %add3A_148 = arith.addi %add3A_79, %add3A_147 : i32
          %sub3A_149 = arith.constant 1 : i32
          %sub3A_150 = arith.subi %add3A_148, %sub3A_149 : i32
          %dma_start3A_151 = arith.constant 0 : i32
          %dma_start3A_152 = arith.constant 0 : i32
          %dma_start3A_153 = arith.constant 0 : i32
          %dma_start3A_154 = tpu.memref_slice %arg9[%dma_start3A_151, %dma_start3A_152, %dma_start3A_153] : memref<4x64x128xf32, #tpu.memory_space<vmem>> -> memref<1x64x128xf32, #tpu.memory_space<vmem>>
          %dma_start3A_155 = tpu.memref_squeeze %dma_start3A_154 : memref<1x64x128xf32, #tpu.memory_space<vmem>> -> memref<64x128xf32, #tpu.memory_space<vmem>>
          %dma_start3A_156 = arith.constant 0 : i32
          %dma_start3A_157 = tpu.memref_slice %arg7[%sub3A_150, %dma_start3A_156] : memref<40x64xi32, #tpu.memory_space<vmem>> -> memref<1x64xi32, #tpu.memory_space<vmem>>
          %dma_start3A_158 = tpu.memref_squeeze %dma_start3A_157 : memref<1x64xi32, #tpu.memory_space<vmem>> -> memref<64xi32, #tpu.memory_space<vmem>>
          %dma_start3A_159 = arith.constant 0 : i32
          %dma_start3A_160 = arith.constant 0 : i32
          %dma_start3A_161 = tpu.memref_slice %arg2[%dma_start3A_159, %dma_start3A_160] : memref<10000x128xf32, #tpu.memory_space<hbm>> -> memref<10000x128xf32, #tpu.memory_space<hbm>>
          tpu.enqueue_indirect_dma source(%dma_start3A_161 : memref<10000x128xf32, #tpu.memory_space<hbm>>) target(%dma_start3A_155 : memref<64x128xf32, #tpu.memory_space<vmem>>) offsets(%dma_start3A_158 : memref<64xi32, #tpu.memory_space<vmem>>) semaphore(%arg11 : memref<!tpu.dma_semaphore, #tpu.memory_space<semaphore_mem>>)
        } else {
        }
        %run_scoped3A_100 = arith.constant 1 : i32
        "tpu.region"() ({
          %run_scoped3A_147 = tpu.sem_alloc : memref<!tpu.dma_semaphore, #tpu.memory_space<semaphore_mem>>
          %dma_start3A_148 = arith.constant 0 : i32
          %dma_start3A_149 = arith.constant 0 : i32
          %dma_start3A_150 = tpu.memref_slice %arg9[%run_scoped3A_100, %dma_start3A_148, %dma_start3A_149] : memref<4x64x128xf32, #tpu.memory_space<vmem>> -> memref<1x64x128xf32, #tpu.memory_space<vmem>>
          %dma_start3A_151 = tpu.memref_squeeze %dma_start3A_150 : memref<1x64x128xf32, #tpu.memory_space<vmem>> -> memref<64x128xf32, #tpu.memory_space<vmem>>
          %dma_start3A_152 = arith.constant 0 : i32
          %dma_start3A_153 = tpu.memref_slice %arg8[%add3A_79, %dma_start3A_152] : memref<40x64xi32, #tpu.memory_space<vmem>> -> memref<1x64xi32, #tpu.memory_space<vmem>>
          %dma_start3A_154 = tpu.memref_squeeze %dma_start3A_153 : memref<1x64xi32, #tpu.memory_space<vmem>> -> memref<64xi32, #tpu.memory_space<vmem>>
          %dma_start3A_155 = arith.constant 0 : i32
          %dma_start3A_156 = arith.constant 0 : i32
          %dma_start3A_157 = tpu.memref_slice %arg10[%dma_start3A_155, %dma_start3A_156] : memref<10112x128xf32, #tpu.memory_space<vmem_shared>> -> memref<10112x128xf32, #tpu.memory_space<vmem_shared>>
          tpu.enqueue_indirect_dma source(%dma_start3A_151 : memref<64x128xf32, #tpu.memory_space<vmem>>) target(%dma_start3A_157 : memref<10112x128xf32, #tpu.memory_space<vmem_shared>>) offsets(%dma_start3A_154 : memref<64xi32, #tpu.memory_space<vmem>>) semaphore(%run_scoped3A_147 : memref<!tpu.dma_semaphore, #tpu.memory_space<semaphore_mem>>) {add = true}
          %dma_wait3A_158 = arith.constant 0 : i32
          %dma_wait3A_159 = arith.constant 0 : i32
          %dma_wait3A_160 = tpu.memref_slice %arg9[%run_scoped3A_100, %dma_wait3A_158, %dma_wait3A_159] : memref<4x64x128xf32, #tpu.memory_space<vmem>> -> memref<1x64x128xf32, #tpu.memory_space<vmem>>
          %dma_wait3A_161 = tpu.memref_squeeze %dma_wait3A_160 : memref<1x64x128xf32, #tpu.memory_space<vmem>> -> memref<64x128xf32, #tpu.memory_space<vmem>>
          %dma_wait3A_162 = arith.constant 0 : i32
          %dma_wait3A_163 = tpu.memref_slice %arg8[%add3A_79, %dma_wait3A_162] : memref<40x64xi32, #tpu.memory_space<vmem>> -> memref<1x64xi32, #tpu.memory_space<vmem>>
          %dma_wait3A_164 = tpu.memref_squeeze %dma_wait3A_163 : memref<1x64xi32, #tpu.memory_space<vmem>> -> memref<64xi32, #tpu.memory_space<vmem>>
          %dma_wait3A_165 = arith.constant 0 : i32
          %dma_wait3A_166 = arith.constant 0 : i32
          %dma_wait3A_167 = tpu.memref_slice %arg10[%dma_wait3A_165, %dma_wait3A_166] : memref<10112x128xf32, #tpu.memory_space<vmem_shared>> -> memref<10112x128xf32, #tpu.memory_space<vmem_shared>>
          tpu.wait_indirect_dma semaphore(%run_scoped3A_147 : memref<!tpu.dma_semaphore, #tpu.memory_space<semaphore_mem>>) src(%dma_wait3A_161 : memref<64x128xf32, #tpu.memory_space<vmem>>) dst(%dma_wait3A_167 : memref<10112x128xf32, #tpu.memory_space<vmem_shared>>)
          tpu.yield
        }) : () -> ()
        %add3A_101 = arith.constant 2 : i32
        %add3A_102 = arith.addi %mul3A_60, %add3A_101 : i32
        %dma_wait3A_103 = arith.constant 2 : i32
        %dma_wait3A_104 = arith.constant 0 : i32
        %dma_wait3A_105 = arith.constant 0 : i32
        %dma_wait3A_106 = tpu.memref_slice %arg9[%dma_wait3A_103, %dma_wait3A_104, %dma_wait3A_105] : memref<4x64x128xf32, #tpu.memory_space<vmem>> -> memref<1x64x128xf32, #tpu.memory_space<vmem>>
        %dma_wait3A_107 = tpu.memref_squeeze %dma_wait3A_106 : memref<1x64x128xf32, #tpu.memory_space<vmem>> -> memref<64x128xf32, #tpu.memory_space<vmem>>
        %dma_wait3A_108 = arith.constant 0 : i32
        %dma_wait3A_109 = tpu.memref_slice %arg7[%add3A_102, %dma_wait3A_108] : memref<40x64xi32, #tpu.memory_space<vmem>> -> memref<1x64xi32, #tpu.memory_space<vmem>>
        %dma_wait3A_110 = tpu.memref_squeeze %dma_wait3A_109 : memref<1x64xi32, #tpu.memory_space<vmem>> -> memref<64xi32, #tpu.memory_space<vmem>>
        %dma_wait3A_111 = arith.constant 0 : i32
        %dma_wait3A_112 = arith.constant 0 : i32
        %dma_wait3A_113 = tpu.memref_slice %arg2[%dma_wait3A_111, %dma_wait3A_112] : memref<10000x128xf32, #tpu.memory_space<hbm>> -> memref<10000x128xf32, #tpu.memory_space<hbm>>
        tpu.wait_indirect_dma semaphore(%arg13 : memref<!tpu.dma_semaphore, #tpu.memory_space<semaphore_mem>>) src(%dma_wait3A_113 : memref<10000x128xf32, #tpu.memory_space<hbm>>) dst(%dma_wait3A_107 : memref<64x128xf32, #tpu.memory_space<vmem>>)
        %add3A_114 = arith.constant 4 : i32
        %add3A_115 = arith.addi %add3A_102, %add3A_114 : i32
        %sub3A_116 = arith.constant 1 : i32
        %sub3A_117 = arith.subi %add3A_115, %sub3A_116 : i32
        %lt3A_118 = arith.constant 40 : i32
        %lt3A_119 = arith.cmpi slt, %sub3A_117, %lt3A_118 : i32
        %convert_element_type3A_120 = arith.extui %lt3A_119 : i1 to i32
        %cond3A_121 = arith.constant 0 : i32
        %cond3A_122 = arith.cmpi ne, %convert_element_type3A_120, %cond3A_121 : i32
        scf.if %cond3A_122 {
          %add3A_147 = arith.constant 4 : i32
          %add3A_148 = arith.addi %add3A_102, %add3A_147 : i32
          %sub3A_149 = arith.constant 1 : i32
          %sub3A_150 = arith.subi %add3A_148, %sub3A_149 : i32
          %dma_start3A_151 = arith.constant 1 : i32
          %dma_start3A_152 = arith.constant 0 : i32
          %dma_start3A_153 = arith.constant 0 : i32
          %dma_start3A_154 = tpu.memref_slice %arg9[%dma_start3A_151, %dma_start3A_152, %dma_start3A_153] : memref<4x64x128xf32, #tpu.memory_space<vmem>> -> memref<1x64x128xf32, #tpu.memory_space<vmem>>
          %dma_start3A_155 = tpu.memref_squeeze %dma_start3A_154 : memref<1x64x128xf32, #tpu.memory_space<vmem>> -> memref<64x128xf32, #tpu.memory_space<vmem>>
          %dma_start3A_156 = arith.constant 0 : i32
          %dma_start3A_157 = tpu.memref_slice %arg7[%sub3A_150, %dma_start3A_156] : memref<40x64xi32, #tpu.memory_space<vmem>> -> memref<1x64xi32, #tpu.memory_space<vmem>>
          %dma_start3A_158 = tpu.memref_squeeze %dma_start3A_157 : memref<1x64xi32, #tpu.memory_space<vmem>> -> memref<64xi32, #tpu.memory_space<vmem>>
          %dma_start3A_159 = arith.constant 0 : i32
          %dma_start3A_160 = arith.constant 0 : i32
          %dma_start3A_161 = tpu.memref_slice %arg2[%dma_start3A_159, %dma_start3A_160] : memref<10000x128xf32, #tpu.memory_space<hbm>> -> memref<10000x128xf32, #tpu.memory_space<hbm>>
          tpu.enqueue_indirect_dma source(%dma_start3A_161 : memref<10000x128xf32, #tpu.memory_space<hbm>>) target(%dma_start3A_155 : memref<64x128xf32, #tpu.memory_space<vmem>>) offsets(%dma_start3A_158 : memref<64xi32, #tpu.memory_space<vmem>>) semaphore(%arg12 : memref<!tpu.dma_semaphore, #tpu.memory_space<semaphore_mem>>)
        } else {
        }
        %run_scoped3A_123 = arith.constant 2 : i32
        "tpu.region"() ({
          %run_scoped3A_147 = tpu.sem_alloc : memref<!tpu.dma_semaphore, #tpu.memory_space<semaphore_mem>>
          %dma_start3A_148 = arith.constant 0 : i32
          %dma_start3A_149 = arith.constant 0 : i32
          %dma_start3A_150 = tpu.memref_slice %arg9[%run_scoped3A_123, %dma_start3A_148, %dma_start3A_149] : memref<4x64x128xf32, #tpu.memory_space<vmem>> -> memref<1x64x128xf32, #tpu.memory_space<vmem>>
          %dma_start3A_151 = tpu.memref_squeeze %dma_start3A_150 : memref<1x64x128xf32, #tpu.memory_space<vmem>> -> memref<64x128xf32, #tpu.memory_space<vmem>>
          %dma_start3A_152 = arith.constant 0 : i32
          %dma_start3A_153 = tpu.memref_slice %arg8[%add3A_102, %dma_start3A_152] : memref<40x64xi32, #tpu.memory_space<vmem>> -> memref<1x64xi32, #tpu.memory_space<vmem>>
          %dma_start3A_154 = tpu.memref_squeeze %dma_start3A_153 : memref<1x64xi32, #tpu.memory_space<vmem>> -> memref<64xi32, #tpu.memory_space<vmem>>
          %dma_start3A_155 = arith.constant 0 : i32
          %dma_start3A_156 = arith.constant 0 : i32
          %dma_start3A_157 = tpu.memref_slice %arg10[%dma_start3A_155, %dma_start3A_156] : memref<10112x128xf32, #tpu.memory_space<vmem_shared>> -> memref<10112x128xf32, #tpu.memory_space<vmem_shared>>
          tpu.enqueue_indirect_dma source(%dma_start3A_151 : memref<64x128xf32, #tpu.memory_space<vmem>>) target(%dma_start3A_157 : memref<10112x128xf32, #tpu.memory_space<vmem_shared>>) offsets(%dma_start3A_154 : memref<64xi32, #tpu.memory_space<vmem>>) semaphore(%run_scoped3A_147 : memref<!tpu.dma_semaphore, #tpu.memory_space<semaphore_mem>>) {add = true}
          %dma_wait3A_158 = arith.constant 0 : i32
          %dma_wait3A_159 = arith.constant 0 : i32
          %dma_wait3A_160 = tpu.memref_slice %arg9[%run_scoped3A_123, %dma_wait3A_158, %dma_wait3A_159] : memref<4x64x128xf32, #tpu.memory_space<vmem>> -> memref<1x64x128xf32, #tpu.memory_space<vmem>>
          %dma_wait3A_161 = tpu.memref_squeeze %dma_wait3A_160 : memref<1x64x128xf32, #tpu.memory_space<vmem>> -> memref<64x128xf32, #tpu.memory_space<vmem>>
          %dma_wait3A_162 = arith.constant 0 : i32
          %dma_wait3A_163 = tpu.memref_slice %arg8[%add3A_102, %dma_wait3A_162] : memref<40x64xi32, #tpu.memory_space<vmem>> -> memref<1x64xi32, #tpu.memory_space<vmem>>
          %dma_wait3A_164 = tpu.memref_squeeze %dma_wait3A_163 : memref<1x64xi32, #tpu.memory_space<vmem>> -> memref<64xi32, #tpu.memory_space<vmem>>
          %dma_wait3A_165 = arith.constant 0 : i32
          %dma_wait3A_166 = arith.constant 0 : i32
          %dma_wait3A_167 = tpu.memref_slice %arg10[%dma_wait3A_165, %dma_wait3A_166] : memref<10112x128xf32, #tpu.memory_space<vmem_shared>> -> memref<10112x128xf32, #tpu.memory_space<vmem_shared>>
          tpu.wait_indirect_dma semaphore(%run_scoped3A_147 : memref<!tpu.dma_semaphore, #tpu.memory_space<semaphore_mem>>) src(%dma_wait3A_161 : memref<64x128xf32, #tpu.memory_space<vmem>>) dst(%dma_wait3A_167 : memref<10112x128xf32, #tpu.memory_space<vmem_shared>>)
          tpu.yield
        }) : () -> ()
        %add3A_124 = arith.constant 3 : i32
        %add3A_125 = arith.addi %mul3A_60, %add3A_124 : i32
        %dma_wait3A_126 = arith.constant 3 : i32
        %dma_wait3A_127 = arith.constant 0 : i32
        %dma_wait3A_128 = arith.constant 0 : i32
        %dma_wait3A_129 = tpu.memref_slice %arg9[%dma_wait3A_126, %dma_wait3A_127, %dma_wait3A_128] : memref<4x64x128xf32, #tpu.memory_space<vmem>> -> memref<1x64x128xf32, #tpu.memory_space<vmem>>
        %dma_wait3A_130 = tpu.memref_squeeze %dma_wait3A_129 : memref<1x64x128xf32, #tpu.memory_space<vmem>> -> memref<64x128xf32, #tpu.memory_space<vmem>>
        %dma_wait3A_131 = arith.constant 0 : i32
        %dma_wait3A_132 = tpu.memref_slice %arg7[%add3A_125, %dma_wait3A_131] : memref<40x64xi32, #tpu.memory_space<vmem>> -> memref<1x64xi32, #tpu.memory_space<vmem>>
        %dma_wait3A_133 = tpu.memref_squeeze %dma_wait3A_132 : memref<1x64xi32, #tpu.memory_space<vmem>> -> memref<64xi32, #tpu.memory_space<vmem>>
        %dma_wait3A_134 = arith.constant 0 : i32
        %dma_wait3A_135 = arith.constant 0 : i32
        %dma_wait3A_136 = tpu.memref_slice %arg2[%dma_wait3A_134, %dma_wait3A_135] : memref<10000x128xf32, #tpu.memory_space<hbm>> -> memref<10000x128xf32, #tpu.memory_space<hbm>>
        tpu.wait_indirect_dma semaphore(%arg14 : memref<!tpu.dma_semaphore, #tpu.memory_space<semaphore_mem>>) src(%dma_wait3A_136 : memref<10000x128xf32, #tpu.memory_space<hbm>>) dst(%dma_wait3A_130 : memref<64x128xf32, #tpu.memory_space<vmem>>)
        %add3A_137 = arith.constant 4 : i32
        %add3A_138 = arith.addi %add3A_125, %add3A_137 : i32
        %sub3A_139 = arith.constant 1 : i32
        %sub3A_140 = arith.subi %add3A_138, %sub3A_139 : i32
        %lt3A_141 = arith.constant 40 : i32
        %lt3A_142 = arith.cmpi slt, %sub3A_140, %lt3A_141 : i32
        %convert_element_type3A_143 = arith.extui %lt3A_142 : i1 to i32
        %cond3A_144 = arith.constant 0 : i32
        %cond3A_145 = arith.cmpi ne, %convert_element_type3A_143, %cond3A_144 : i32
        scf.if %cond3A_145 {
          %add3A_147 = arith.constant 4 : i32
          %add3A_148 = arith.addi %add3A_125, %add3A_147 : i32
          %sub3A_149 = arith.constant 1 : i32
          %sub3A_150 = arith.subi %add3A_148, %sub3A_149 : i32
          %dma_start3A_151 = arith.constant 2 : i32
          %dma_start3A_152 = arith.constant 0 : i32
          %dma_start3A_153 = arith.constant 0 : i32
          %dma_start3A_154 = tpu.memref_slice %arg9[%dma_start3A_151, %dma_start3A_152, %dma_start3A_153] : memref<4x64x128xf32, #tpu.memory_space<vmem>> -> memref<1x64x128xf32, #tpu.memory_space<vmem>>
          %dma_start3A_155 = tpu.memref_squeeze %dma_start3A_154 : memref<1x64x128xf32, #tpu.memory_space<vmem>> -> memref<64x128xf32, #tpu.memory_space<vmem>>
          %dma_start3A_156 = arith.constant 0 : i32
          %dma_start3A_157 = tpu.memref_slice %arg7[%sub3A_150, %dma_start3A_156] : memref<40x64xi32, #tpu.memory_space<vmem>> -> memref<1x64xi32, #tpu.memory_space<vmem>>
          %dma_start3A_158 = tpu.memref_squeeze %dma_start3A_157 : memref<1x64xi32, #tpu.memory_space<vmem>> -> memref<64xi32, #tpu.memory_space<vmem>>
          %dma_start3A_159 = arith.constant 0 : i32
          %dma_start3A_160 = arith.constant 0 : i32
          %dma_start3A_161 = tpu.memref_slice %arg2[%dma_start3A_159, %dma_start3A_160] : memref<10000x128xf32, #tpu.memory_space<hbm>> -> memref<10000x128xf32, #tpu.memory_space<hbm>>
          tpu.enqueue_indirect_dma source(%dma_start3A_161 : memref<10000x128xf32, #tpu.memory_space<hbm>>) target(%dma_start3A_155 : memref<64x128xf32, #tpu.memory_space<vmem>>) offsets(%dma_start3A_158 : memref<64xi32, #tpu.memory_space<vmem>>) semaphore(%arg13 : memref<!tpu.dma_semaphore, #tpu.memory_space<semaphore_mem>>)
        } else {
        }
        %run_scoped3A_146 = arith.constant 3 : i32
        "tpu.region"() ({
          %run_scoped3A_147 = tpu.sem_alloc : memref<!tpu.dma_semaphore, #tpu.memory_space<semaphore_mem>>
          %dma_start3A_148 = arith.constant 0 : i32
          %dma_start3A_149 = arith.constant 0 : i32
          %dma_start3A_150 = tpu.memref_slice %arg9[%run_scoped3A_146, %dma_start3A_148, %dma_start3A_149] : memref<4x64x128xf32, #tpu.memory_space<vmem>> -> memref<1x64x128xf32, #tpu.memory_space<vmem>>
          %dma_start3A_151 = tpu.memref_squeeze %dma_start3A_150 : memref<1x64x128xf32, #tpu.memory_space<vmem>> -> memref<64x128xf32, #tpu.memory_space<vmem>>
          %dma_start3A_152 = arith.constant 0 : i32
          %dma_start3A_153 = tpu.memref_slice %arg8[%add3A_125, %dma_start3A_152] : memref<40x64xi32, #tpu.memory_space<vmem>> -> memref<1x64xi32, #tpu.memory_space<vmem>>
          %dma_start3A_154 = tpu.memref_squeeze %dma_start3A_153 : memref<1x64xi32, #tpu.memory_space<vmem>> -> memref<64xi32, #tpu.memory_space<vmem>>
          %dma_start3A_155 = arith.constant 0 : i32
          %dma_start3A_156 = arith.constant 0 : i32
          %dma_start3A_157 = tpu.memref_slice %arg10[%dma_start3A_155, %dma_start3A_156] : memref<10112x128xf32, #tpu.memory_space<vmem_shared>> -> memref<10112x128xf32, #tpu.memory_space<vmem_shared>>
          tpu.enqueue_indirect_dma source(%dma_start3A_151 : memref<64x128xf32, #tpu.memory_space<vmem>>) target(%dma_start3A_157 : memref<10112x128xf32, #tpu.memory_space<vmem_shared>>) offsets(%dma_start3A_154 : memref<64xi32, #tpu.memory_space<vmem>>) semaphore(%run_scoped3A_147 : memref<!tpu.dma_semaphore, #tpu.memory_space<semaphore_mem>>) {add = true}
          %dma_wait3A_158 = arith.constant 0 : i32
          %dma_wait3A_159 = arith.constant 0 : i32
          %dma_wait3A_160 = tpu.memref_slice %arg9[%run_scoped3A_146, %dma_wait3A_158, %dma_wait3A_159] : memref<4x64x128xf32, #tpu.memory_space<vmem>> -> memref<1x64x128xf32, #tpu.memory_space<vmem>>
          %dma_wait3A_161 = tpu.memref_squeeze %dma_wait3A_160 : memref<1x64x128xf32, #tpu.memory_space<vmem>> -> memref<64x128xf32, #tpu.memory_space<vmem>>
          %dma_wait3A_162 = arith.constant 0 : i32
          %dma_wait3A_163 = tpu.memref_slice %arg8[%add3A_125, %dma_wait3A_162] : memref<40x64xi32, #tpu.memory_space<vmem>> -> memref<1x64xi32, #tpu.memory_space<vmem>>
          %dma_wait3A_164 = tpu.memref_squeeze %dma_wait3A_163 : memref<1x64xi32, #tpu.memory_space<vmem>> -> memref<64xi32, #tpu.memory_space<vmem>>
          %dma_wait3A_165 = arith.constant 0 : i32
          %dma_wait3A_166 = arith.constant 0 : i32
          %dma_wait3A_167 = tpu.memref_slice %arg10[%dma_wait3A_165, %dma_wait3A_166] : memref<10112x128xf32, #tpu.memory_space<vmem_shared>> -> memref<10112x128xf32, #tpu.memory_space<vmem_shared>>
          tpu.wait_indirect_dma semaphore(%run_scoped3A_147 : memref<!tpu.dma_semaphore, #tpu.memory_space<semaphore_mem>>) src(%dma_wait3A_161 : memref<64x128xf32, #tpu.memory_space<vmem>>) dst(%dma_wait3A_167 : memref<10112x128xf32, #tpu.memory_space<vmem_shared>>)
          tpu.yield
        }) : () -> ()
      }
      %scan3A_57 = arith.constant 10 : i32
    }
    %scan3A_9 = arith.constant 4 : i32
    %barrier3A_10 = arith.constant 0 : index
    tpu.barrier barrier_id(%barrier3A_10)
    %mul3A_11 = arith.constant 632 : i32
    %mul3A_12 = arith.muli %arg1, %mul3A_11 : i32
    "tpu.region"() ({
      %run_scoped3A = tpu.sem_alloc : memref<!tpu.dma_semaphore, #tpu.memory_space<semaphore_mem>>
      %dma_start3A = arith.constant 0 : i32
      %dma_start3A_13 = tpu.memref_slice %arg6[%arg0, %mul3A_12, %dma_start3A] : memref<2x10112x128xf32, #tpu.memory_space<hbm>> -> memref<1x632x128xf32, #tpu.memory_space<hbm>>
      %dma_start3A_14 = tpu.memref_squeeze %dma_start3A_13 : memref<1x632x128xf32, #tpu.memory_space<hbm>> -> memref<632x128xf32, #tpu.memory_space<hbm>>
      %dma_start3A_15 = arith.constant 0 : i32
      %dma_start3A_16 = tpu.memref_slice %arg10[%mul3A_12, %dma_start3A_15] : memref<10112x128xf32, #tpu.memory_space<vmem_shared>> -> memref<632x128xf32, #tpu.memory_space<vmem_shared>>
      tpu.enqueue_dma source(%dma_start3A_16 : memref<632x128xf32, #tpu.memory_space<vmem_shared>>) target(%dma_start3A_14 : memref<632x128xf32, #tpu.memory_space<hbm>>) target_semaphore(%run_scoped3A : memref<!tpu.dma_semaphore, #tpu.memory_space<semaphore_mem>>)
      %dma_wait3A = arith.constant 0 : i32
      %dma_wait3A_17 = tpu.memref_slice %arg6[%arg0, %mul3A_12, %dma_wait3A] : memref<2x10112x128xf32, #tpu.memory_space<hbm>> -> memref<1x632x128xf32, #tpu.memory_space<hbm>>
      %dma_wait3A_18 = tpu.memref_squeeze %dma_wait3A_17 : memref<1x632x128xf32, #tpu.memory_space<hbm>> -> memref<632x128xf32, #tpu.memory_space<hbm>>
      %dma_wait3A_19 = arith.constant 0 : i32
      %dma_wait3A_20 = tpu.memref_slice %arg10[%mul3A_12, %dma_wait3A_19] : memref<10112x128xf32, #tpu.memory_space<vmem_shared>> -> memref<632x128xf32, #tpu.memory_space<vmem_shared>>
      tpu.wait_dma2 semaphore(%run_scoped3A : memref<!tpu.dma_semaphore, #tpu.memory_space<semaphore_mem>>) src(%dma_wait3A_20 : memref<632x128xf32, #tpu.memory_space<vmem_shared>>) dst(%dma_wait3A_18 : memref<632x128xf32, #tpu.memory_space<hbm>>)
      tpu.yield
    }) : () -> ()
    return
  }
}

module attributes {stable_mosaic.version = 14 : i64} {
  func.func @_pre_body(%arg0: i32, %arg1: memref<2x1000x128xf32, #tpu.memory_space<vmem>>, %arg2: memref<1000x128xf32, #tpu.memory_space<vmem>>, %arg3: memref<128x128xf32, #tpu.memory_space<vmem>>, %arg4: memref<1000x128xf32, #tpu.memory_space<vmem>>) attributes {dimension_semantics = [#tpu.dimension_semantics<arbitrary>], iteration_bounds = array<i64: 10>, scalar_prefetch = 0 : i64, scratch_operands = 0 : i64, tpu.core_type = #tpu.core_type<tc>, window_params = [{transform_indices = @transform_0, window_bounds = array<i64: 2, 1000, 128>}, {transform_indices = @transform_1, window_bounds = array<i64: 1000, 128>}, {pipeline_mode = #tpu.pipeline_mode<synchronous>, transform_indices = @transform_2, window_bounds = array<i64: 128, 128>}, {transform_indices = @transform_3, window_bounds = array<i64: 1000, 128>}]} {
    %get3A = arith.constant 0 : index
    %get3A_0 = arith.constant 0 : index
    %get3A_1 = arith.constant 0 : index
    %get3A_2 = vector.load %arg1[%get3A, %get3A_0, %get3A_1] : memref<2x1000x128xf32, #tpu.memory_space<vmem>>, vector<1x1000x1xf32>
    %get3A_3 = vector.shape_cast %get3A_2 : vector<1x1000x1xf32> to vector<1000x1xf32>
    %max3A = arith.constant 1.000000e+00 : f32
    %max3A_4 = vector.broadcast %max3A : f32 to vector<1000x1xf32>
    %max3A_5 = arith.maximumf %get3A_3, %max3A_4 : vector<1000x1xf32>
    %rsqrt3A = math.rsqrt %max3A_5 : vector<1000x1xf32>
    %get3A_6 = arith.constant 0 : index
    %get3A_7 = arith.constant 0 : index
    %get3A_8 = vector.load %arg2[%get3A_6, %get3A_7] : memref<1000x128xf32, #tpu.memory_space<vmem>>, vector<1000x128xf32>
    %mul3A = vector.broadcast %rsqrt3A : vector<1000x1xf32> to vector<1000x128xf32>
    %mul3A_9 = arith.mulf %get3A_8, %mul3A : vector<1000x128xf32>
    %get3A_10 = arith.constant 0 : index
    %get3A_11 = arith.constant 0 : index
    %get3A_12 = vector.load %arg3[%get3A_10, %get3A_11] : memref<128x128xf32, #tpu.memory_space<vmem>>, vector<128x128xf32>
    %dot_general3A = arith.constant dense<0.000000e+00> : vector<1000x128xf32>
    %dot_general3A_13 = tpu.matmul %mul3A_9, %get3A_12, %dot_general3A {dimension_numbers = #tpu.dot_dimension_numbers<[1], [0], [0], [1], [0, 0, 1, 1], [], []>, transpose_lhs_hint = false} : vector<1000x128xf32>, vector<128x128xf32>, vector<1000x128xf32> -> vector<1000x128xf32>
    %swap3A = arith.constant 0 : index
    %swap3A_14 = arith.constant 0 : index
    %swap3A_15 = vector.load %arg4[%swap3A, %swap3A_14] : memref<1000x128xf32, #tpu.memory_space<vmem>>, vector<1000x128xf32>
    tpu.vector_store %arg4[%swap3A, %swap3A_14], %dot_general3A_13 {strides = array<i32>} : memref<1000x128xf32, #tpu.memory_space<vmem>>, vector<1000x128xf32>,
    return
  }
  func.func @transform_0(%arg0: i32) -> (i32, i32, i32) {
    %c0_i32 = arith.constant 0 : i32
    %c0_i32_0 = arith.constant 0 : i32
    %c0_i32_1 = arith.constant 0 : i32
    return %c0_i32, %arg0, %c0_i32_0 : i32, i32, i32
  }
  func.func @transform_1(%arg0: i32) -> (i32, i32) {
    %c0_i32 = arith.constant 0 : i32
    %c0_i32_0 = arith.constant 0 : i32
    return %arg0, %c0_i32 : i32, i32
  }
  func.func @transform_2(%arg0: i32) -> (i32, i32) {
    %c0_i32 = arith.constant 0 : i32
    %c0_i32_0 = arith.constant 0 : i32
    %c0_i32_1 = arith.constant 0 : i32
    return %c0_i32, %c0_i32_0 : i32, i32
  }
  func.func @transform_3(%arg0: i32) -> (i32, i32) {
    %c0_i32 = arith.constant 0 : i32
    %c0_i32_0 = arith.constant 0 : i32
    return %arg0, %c0_i32 : i32, i32
  }
}

module attributes {stable_mosaic.version = 14 : i64} {
  func.func @_mid_body(%arg0: i32, %arg1: memref<2x1000x128xf32, #tpu.memory_space<vmem>>, %arg2: memref<2x1000x128xf32, #tpu.memory_space<vmem>>, %arg3: memref<1x128xf32, #tpu.memory_space<vmem>>, %arg4: memref<128x128xf32, #tpu.memory_space<vmem>>, %arg5: memref<1000x128xf32, #tpu.memory_space<vmem>>) attributes {dimension_semantics = [#tpu.dimension_semantics<arbitrary>], iteration_bounds = array<i64: 10>, scalar_prefetch = 0 : i64, scratch_operands = 0 : i64, tpu.core_type = #tpu.core_type<tc>, window_params = [{transform_indices = @transform_0, window_bounds = array<i64: 2, 1000, 128>}, {transform_indices = @transform_1, window_bounds = array<i64: 2, 1000, 128>}, {pipeline_mode = #tpu.pipeline_mode<synchronous>, transform_indices = @transform_2, window_bounds = array<i64: 1, 128>}, {pipeline_mode = #tpu.pipeline_mode<synchronous>, transform_indices = @transform_3, window_bounds = array<i64: 128, 128>}, {transform_indices = @transform_4, window_bounds = array<i64: 1000, 128>}]} {
    %get3A = arith.constant 1 : index
    %get3A_0 = arith.constant 0 : index
    %get3A_1 = arith.constant 0 : index
    %get3A_2 = vector.load %arg1[%get3A, %get3A_0, %get3A_1] : memref<2x1000x128xf32, #tpu.memory_space<vmem>>, vector<1x1000x1xf32>
    %get3A_3 = vector.shape_cast %get3A_2 : vector<1x1000x1xf32> to vector<1000x1xf32>
    %max3A = arith.constant 1.000000e+00 : f32
    %max3A_4 = vector.broadcast %max3A : f32 to vector<1000x1xf32>
    %max3A_5 = arith.maximumf %get3A_3, %max3A_4 : vector<1000x1xf32>
    %rsqrt3A = math.rsqrt %max3A_5 : vector<1000x1xf32>
    %get3A_6 = arith.constant 0 : index
    %get3A_7 = arith.constant 0 : index
    %get3A_8 = arith.constant 0 : index
    %get3A_9 = vector.load %arg1[%get3A_6, %get3A_7, %get3A_8] : memref<2x1000x128xf32, #tpu.memory_space<vmem>>, vector<1x1000x1xf32>
    %get3A_10 = vector.shape_cast %get3A_9 : vector<1x1000x1xf32> to vector<1000x1xf32>
    %max3A_11 = arith.constant 1.000000e+00 : f32
    %max3A_12 = vector.broadcast %max3A_11 : f32 to vector<1000x1xf32>
    %max3A_13 = arith.maximumf %get3A_10, %max3A_12 : vector<1000x1xf32>
    %rsqrt3A_14 = math.rsqrt %max3A_13 : vector<1000x1xf32>
    %get3A_15 = arith.constant 0 : index
    %get3A_16 = arith.constant 0 : index
    %get3A_17 = arith.constant 0 : index
    %get3A_18 = vector.load %arg2[%get3A_15, %get3A_16, %get3A_17] : memref<2x1000x128xf32, #tpu.memory_space<vmem>>, vector<1x1000x128xf32>
    %get3A_19 = vector.shape_cast %get3A_18 : vector<1x1000x128xf32> to vector<1000x128xf32>
    %get3A_20 = arith.constant 1 : index
    %get3A_21 = arith.constant 0 : index
    %get3A_22 = arith.constant 0 : index
    %get3A_23 = vector.load %arg2[%get3A_20, %get3A_21, %get3A_22] : memref<2x1000x128xf32, #tpu.memory_space<vmem>>, vector<1x1000x128xf32>
    %get3A_24 = vector.shape_cast %get3A_23 : vector<1x1000x128xf32> to vector<1000x128xf32>
    %add3A = arith.addf %get3A_19, %get3A_24 : vector<1000x128xf32>
    %mul3A = vector.broadcast %rsqrt3A : vector<1000x1xf32> to vector<1000x128xf32>
    %mul3A_25 = arith.mulf %add3A, %mul3A : vector<1000x128xf32>
    %get3A_26 = arith.constant 0 : index
    %get3A_27 = arith.constant 0 : index
    %get3A_28 = vector.load %arg3[%get3A_26, %get3A_27] : memref<1x128xf32, #tpu.memory_space<vmem>>, vector<1x128xf32>
    %add3A_29 = vector.broadcast %get3A_28 : vector<1x128xf32> to vector<1000x128xf32>
    %add3A_30 = arith.addf %mul3A_25, %add3A_29 : vector<1000x128xf32>
    %gt3A = arith.constant 0.000000e+00 : f32
    %gt3A_31 = vector.broadcast %gt3A : f32 to vector<1000x128xf32>
    %gt3A_32 = arith.cmpf ogt, %add3A_30, %gt3A_31 : vector<1000x128xf32>
    %min3A = arith.constant 0.000000e+00 : f32
    %min3A_33 = vector.broadcast %min3A : f32 to vector<1000x128xf32>
    %min3A_34 = arith.minimumf %add3A_30, %min3A_33 : vector<1000x128xf32>
    %exp3A = math.exp %min3A_34 : vector<1000x128xf32>
    %sub3A = arith.constant 1.000000e+00 : f32
    %sub3A_35 = vector.broadcast %sub3A : f32 to vector<1000x128xf32>
    %sub3A_36 = arith.subf %exp3A, %sub3A_35 : vector<1000x128xf32>
    %select_n3A = arith.select %gt3A_32, %add3A_30, %sub3A_36 : vector<1000x128xi1>, vector<1000x128xf32>
    %mul3A_37 = vector.broadcast %rsqrt3A_14 : vector<1000x1xf32> to vector<1000x128xf32>
    %mul3A_38 = arith.mulf %select_n3A, %mul3A_37 : vector<1000x128xf32>
    %get3A_39 = arith.constant 0 : index
    %get3A_40 = arith.constant 0 : index
    %get3A_41 = vector.load %arg4[%get3A_39, %get3A_40] : memref<128x128xf32, #tpu.memory_space<vmem>>, vector<128x128xf32>
    %dot_general3A = arith.constant dense<0.000000e+00> : vector<1000x128xf32>
    %dot_general3A_42 = tpu.matmul %mul3A_38, %get3A_41, %dot_general3A {dimension_numbers = #tpu.dot_dimension_numbers<[1], [0], [0], [1], [0, 0, 1, 1], [], []>, transpose_lhs_hint = false} : vector<1000x128xf32>, vector<128x128xf32>, vector<1000x128xf32> -> vector<1000x128xf32>
    %swap3A = arith.constant 0 : index
    %swap3A_43 = arith.constant 0 : index
    %swap3A_44 = vector.load %arg5[%swap3A, %swap3A_43] : memref<1000x128xf32, #tpu.memory_space<vmem>>, vector<1000x128xf32>
    tpu.vector_store %arg5[%swap3A, %swap3A_43], %dot_general3A_42 {strides = array<i32>} : memref<1000x128xf32, #tpu.memory_space<vmem>>, vector<1000x128xf32>,
    return
  }
  func.func @transform_0(%arg0: i32) -> (i32, i32, i32) {
    %c0_i32 = arith.constant 0 : i32
    %c0_i32_0 = arith.constant 0 : i32
    %c0_i32_1 = arith.constant 0 : i32
    return %c0_i32, %arg0, %c0_i32_0 : i32, i32, i32
  }
  func.func @transform_1(%arg0: i32) -> (i32, i32, i32) {
    %c0_i32 = arith.constant 0 : i32
    %c0_i32_0 = arith.constant 0 : i32
    %c0_i32_1 = arith.constant 0 : i32
    return %c0_i32, %arg0, %c0_i32_0 : i32, i32, i32
  }
  func.func @transform_2(%arg0: i32) -> (i32, i32) {
    %c0_i32 = arith.constant 0 : i32
    %c0_i32_0 = arith.constant 0 : i32
    %c0_i32_1 = arith.constant 0 : i32
    return %c0_i32, %c0_i32_0 : i32, i32
  }
  func.func @transform_3(%arg0: i32) -> (i32, i32) {
    %c0_i32 = arith.constant 0 : i32
    %c0_i32_0 = arith.constant 0 : i32
    %c0_i32_1 = arith.constant 0 : i32
    return %c0_i32, %c0_i32_0 : i32, i32
  }
  func.func @transform_4(%arg0: i32) -> (i32, i32) {
    %c0_i32 = arith.constant 0 : i32
    %c0_i32_0 = arith.constant 0 : i32
    return %arg0, %c0_i32 : i32, i32
  }
}

module attributes {stable_mosaic.version = 14 : i64} {
  func.func @_post_body(%arg0: i32, %arg1: memref<2x1000x128xf32, #tpu.memory_space<vmem>>, %arg2: memref<2x1000x128xf32, #tpu.memory_space<vmem>>, %arg3: memref<1x128xf32, #tpu.memory_space<vmem>>, %arg4: memref<1000x128xf32, #tpu.memory_space<vmem>>) attributes {dimension_semantics = [#tpu.dimension_semantics<arbitrary>], iteration_bounds = array<i64: 10>, scalar_prefetch = 0 : i64, scratch_operands = 0 : i64, tpu.core_type = #tpu.core_type<tc>, window_params = [{transform_indices = @transform_0, window_bounds = array<i64: 2, 1000, 128>}, {transform_indices = @transform_1, window_bounds = array<i64: 2, 1000, 128>}, {pipeline_mode = #tpu.pipeline_mode<synchronous>, transform_indices = @transform_2, window_bounds = array<i64: 1, 128>}, {transform_indices = @transform_3, window_bounds = array<i64: 1000, 128>}]} {
    %get3A = arith.constant 1 : index
    %get3A_0 = arith.constant 0 : index
    %get3A_1 = arith.constant 0 : index
    %get3A_2 = vector.load %arg1[%get3A, %get3A_0, %get3A_1] : memref<2x1000x128xf32, #tpu.memory_space<vmem>>, vector<1x1000x1xf32>
    %get3A_3 = vector.shape_cast %get3A_2 : vector<1x1000x1xf32> to vector<1000x1xf32>
    %max3A = arith.constant 1.000000e+00 : f32
    %max3A_4 = vector.broadcast %max3A : f32 to vector<1000x1xf32>
    %max3A_5 = arith.maximumf %get3A_3, %max3A_4 : vector<1000x1xf32>
    %rsqrt3A = math.rsqrt %max3A_5 : vector<1000x1xf32>
    %get3A_6 = arith.constant 0 : index
    %get3A_7 = arith.constant 0 : index
    %get3A_8 = arith.constant 0 : index
    %get3A_9 = vector.load %arg2[%get3A_6, %get3A_7, %get3A_8] : memref<2x1000x128xf32, #tpu.memory_space<vmem>>, vector<1x1000x128xf32>
    %get3A_10 = vector.shape_cast %get3A_9 : vector<1x1000x128xf32> to vector<1000x128xf32>
    %get3A_11 = arith.constant 1 : index
    %get3A_12 = arith.constant 0 : index
    %get3A_13 = arith.constant 0 : index
    %get3A_14 = vector.load %arg2[%get3A_11, %get3A_12, %get3A_13] : memref<2x1000x128xf32, #tpu.memory_space<vmem>>, vector<1x1000x128xf32>
    %get3A_15 = vector.shape_cast %get3A_14 : vector<1x1000x128xf32> to vector<1000x128xf32>
    %add3A = arith.addf %get3A_10, %get3A_15 : vector<1000x128xf32>
    %mul3A = vector.broadcast %rsqrt3A : vector<1000x1xf32> to vector<1000x128xf32>
    %mul3A_16 = arith.mulf %add3A, %mul3A : vector<1000x128xf32>
    %get3A_17 = arith.constant 0 : index
    %get3A_18 = arith.constant 0 : index
    %get3A_19 = vector.load %arg3[%get3A_17, %get3A_18] : memref<1x128xf32, #tpu.memory_space<vmem>>, vector<1x128xf32>
    %add3A_20 = vector.broadcast %get3A_19 : vector<1x128xf32> to vector<1000x128xf32>
    %add3A_21 = arith.addf %mul3A_16, %add3A_20 : vector<1000x128xf32>
    %swap3A = arith.constant 0 : index
    %swap3A_22 = arith.constant 0 : index
    %swap3A_23 = vector.load %arg4[%swap3A, %swap3A_22] : memref<1000x128xf32, #tpu.memory_space<vmem>>, vector<1000x128xf32>
    tpu.vector_store %arg4[%swap3A, %swap3A_22], %add3A_21 {strides = array<i32>} : memref<1000x128xf32, #tpu.memory_space<vmem>>, vector<1000x128xf32>,
    return
  }
  func.func @transform_0(%arg0: i32) -> (i32, i32, i32) {
    %c0_i32 = arith.constant 0 : i32
    %c0_i32_0 = arith.constant 0 : i32
    %c0_i32_1 = arith.constant 0 : i32
    return %c0_i32, %arg0, %c0_i32_0 : i32, i32, i32
  }
  func.func @transform_1(%arg0: i32) -> (i32, i32, i32) {
    %c0_i32 = arith.constant 0 : i32
    %c0_i32_0 = arith.constant 0 : i32
    %c0_i32_1 = arith.constant 0 : i32
    return %c0_i32, %arg0, %c0_i32_0 : i32, i32, i32
  }
  func.func @transform_2(%arg0: i32) -> (i32, i32) {
    %c0_i32 = arith.constant 0 : i32
    %c0_i32_0 = arith.constant 0 : i32
    %c0_i32_1 = arith.constant 0 : i32
    return %c0_i32, %c0_i32_0 : i32, i32
  }
  func.func @transform_3(%arg0: i32) -> (i32, i32) {
    %c0_i32 = arith.constant 0 : i32
    %c0_i32_0 = arith.constant 0 : i32
    return %arg0, %c0_i32 : i32, i32
  }
}

</mosaic_0001>

<sc_bundles>
// kernel: kernel.11.cloned.1.call-start
scs
__scs_entry_jumppad:
0x0: {  	(pc) =	sbr.rel $0x88, $3  }
0x1: {  	(tag) =	ssettag $0x0;
	lr =	simm.s32 $0x1  }
0x2: {  	[smem:$0x3F9B] =	sst lr;
	_ =	strace $0xD0000000  }
0x3: {  	_ = 	snop  }
0x4: {  	_ = 	snop  }
0x5: {  	_ = 	snop  }
0x6: {  	_ = 	snop  }
0x7: {  	_ = 	snop  }
__scs_overlays_trampoline_lowered:
0x8: {  	[smem:$0x3FAA] =	sst s0  }
0x9: {  	[smem:$0x3FAB] =	sst s1  }
0xa: {  	[smem:$0x3FAC] =	sst s2  }
0xb: {  	[smem:$0x3FAD] =	sst s3  }
0xc: {  	[smem:$0x3FAE] =	sst s4  }
0xd: {  	[smem:$0x3FAF] =	sst s5  }
0xe: {  	[smem:$0x3FB0] =	sst s6  }
0xf: {  	[smem:$0x3FB1] =	sst s7  }
0x10: {  	[smem:$0x3FB2] =	sst s8  }
0x11: {  	[smem:$0x3FB3] =	sst s9;
	s0 =	simm.s32 @!p0 $0x0  }
0x12: {  	s1 =	sld [smem:$0x3F99];
	s0 =	simm.s32 @p0 $0x1  }
0x13: {  	[smem:$0x3FB4] =	sst s0;
	s0 =	simm.s32 @!p1 $0x0  }
0x14: {  	s2 =	sld [smem:$0x3F98];
	s0 =	simm.s32 @p1 $0x1  }
0x15: {  	[smem:$0x3FB5] =	sst s0;
	s0 =	simm.s32 @!p2 $0x0  }
0x16: {  	s3 =	sld [smem:$0x3FDB];
	s0 =	simm.s32 @p2 $0x1  }
0x17: {  	s4 =	simm.s32 $0x1BF5;
	[smem:$0x3FB7] =	sst s0  }
0x18: {  	s0 =	sld [smem:$0x3F9A];
	_ =	swait.ge [sflag:s4], $0x0  }
0x19: {  	s7 =	sld [smem:$0x3F9B]  }
0x1a: {  	s8 =	sadd.s32 $0xFFFFE003, lr  }
0x1b: {  	s9 =	sadd.s32 $0xFFFFFEF7, lr;
	s5 =	simm.s32 $0xFFFFFFFF;
	p2 =	slt.u32 s8, $0xFFFFF086  }
0x1c: {  	p1 =	slt.u32 s9, $0xF7A;
	s5 =	simm.s32 @!p2 $0x0  }
0x1d: {  	s5 =	simm.s32 @p1 $0x1;
	p0 =	seq.s32 s7, s2  }
0x1e: {  	s7 =	smul.u32 @!p0 $0xF7A, s2;
	p2 =	seq.s32 @!p0 s5, $0x0  }
0x1f: {  	s9 =	smul.u32 $0xF7A, s1;
	s8 =	simm.s32 @!p0 $0x1BF5;
	p2 =	por !p2, p0  }
0x20: {  	[sflag:s8] =	ssyncset.s32 @!p0 $0xFFFFF086;
	s6 =	sadd.s32 @!p0 s3, s7;
	s7 =	simm.s32 @!p0 $0x108  }
0x21: {  	s3 =	sadd.s32 s3, s9;
	s6 =	sadd.s32 @!p0 $0x88, s6;
	s7 =	simm.s32 @p2 $0x1082  }
0x22: {  	[simem:s7], [sflag:s8] =	dma.local @!p0 [hbm:s6], $0xF7A  }
0x23: {  	s9 =	sor.u32 $0xD0000000, s2;
	s6 =	simm.s32 $0x108;
	_ =	swait.ge @!p0 [sflag:s8], $0x0  }
0x24: {  	s3 =	sadd.s32 $0x88, s3;
	s6 =	simm.s32 @!p1 $0x1082;
	[sflag:s4] =	ssyncset.s32 $0xFFFFF086  }
0x25: {  	[simem:s6], [sflag:s4] =	dma.local [hbm:s3], $0xF7A  }
0x26: {  	[smem:$0x3F9B] =	sst s1;
	(tag) =	ssettag s2;
	_ =	strace s9  }
0x27: {  	s1 =	sld [smem:$0x3FAB]  }
0x28: {  	s2 =	sld [smem:$0x3FAC]  }
0x29: {  	s4 =	sld [smem:$0x3FAE]  }
0x2a: {  	p0 =	seq.s32 s5, $0x0;
	s5 =	sld [smem:$0x3FAF]  }
0x2b: {  	s6 =	sld [smem:$0x3FB0]  }
0x2c: {  	s7 =	sld [smem:$0x3FB1]  }
0x2d: {  	s3 =	simm.s32 $0x108;
	s8 =	sld [smem:$0x3FB2]  }
0x2e: {  	s3 =	simm.s32 @!p0 $0x1082;
	s9 =	sld [smem:$0x3FB3]  }
0x2f: {  	lr =	sadd.s32 s0, s3;
	s0 =	sld [smem:$0x3FAA]  }
0x30: {  	s3 =	sld [smem:$0x3FAD]  }
0x31: {  	[smem:$0x3FB6] =	sst s10  }
0x32: {  	s10 =	sld [smem:$0x3FB4];
	_ =	sdelay $0x3  }
0x33: {  	p0 =	seq.s32 s10, $0x1;
	s10 =	sld [smem:$0x3FB6];
	_ =	sdelay $0x3  }
0x34: {  	[smem:$0x3FB6] =	sst s10  }
0x35: {  	s10 =	sld [smem:$0x3FB5];
	_ =	sdelay $0x3  }
0x36: {  	p1 =	seq.s32 s10, $0x1;
	s10 =	sld [smem:$0x3FB6];
	_ =	sdelay $0x3  }
0x37: {  	[smem:$0x3FB6] =	sst s10  }
0x38: {  	s10 =	sld [smem:$0x3FB7]  }
0x39: {  	_ = 	snop;
	(pc) =	sbr.ind lr, $3  }
0x3a: {  	_ = 	snop  }
0x3b: {  	_ = 	snop  }
0x3c: {  	p2 =	seq.s32 s10, $0x1;
	s10 =	sld [smem:$0x3FB6]  }
0x3d: {  	_ =	shalt  }
0x3e: {  	_ =	shalt  }
0x3f: {  	_ =	shalt  }
0x40: {  	_ =	shalt  }
0x41: {  	_ =	shalt  }
0x42: {  	_ =	shalt  }
0x43: {  	_ =	shalt  }
0x44: {  	_ =	shalt  }
0x45: {  	_ =	shalt  }
0x46: {  	_ =	shalt  }
0x47: {  	_ =	shalt  }
0x48: {  	_ =	shalt  }
0x49: {  	_ =	shalt  }
0x4a: {  	_ =	shalt  }
0x4b: {  	_ =	shalt  }
0x4c: {  	_ =	shalt  }
0x4d: {  	_ =	shalt  }
0x4e: {  	_ =	shalt  }
0x4f: {  	_ =	shalt  }
0x50: {  	_ =	shalt  }
0x51: {  	_ =	shalt  }
0x52: {  	_ =	shalt  }
0x53: {  	_ =	shalt  }
0x54: {  	_ =	shalt  }
0x55: {  	_ =	shalt  }
0x56: {  	_ =	shalt  }
0x57: {  	_ =	shalt  }
0x58: {  	_ =	shalt  }
0x59: {  	_ =	shalt  }
0x5a: {  	_ =	shalt  }
0x5b: {  	_ =	shalt  }
0x5c: {  	_ =	shalt  }
0x5d: {  	_ =	shalt  }
0x5e: {  	_ =	shalt  }
0x5f: {  	_ =	shalt  }
0x60: {  	_ =	shalt  }
0x61: {  	_ =	shalt  }
0x62: {  	_ =	shalt  }
0x63: {  	_ =	shalt  }
0x64: {  	_ =	shalt  }
0x65: {  	_ =	shalt  }
0x66: {  	_ =	shalt  }
0x67: {  	_ =	shalt  }
0x68: {  	_ =	shalt  }
0x69: {  	_ =	shalt  }
0x6a: {  	_ =	shalt  }
0x6b: {  	_ =	shalt  }
0x6c: {  	_ =	shalt  }
0x6d: {  	_ =	shalt  }
0x6e: {  	_ =	shalt  }
0x6f: {  	_ =	shalt  }
0x70: {  	_ =	shalt  }
0x71: {  	_ =	shalt  }
0x72: {  	_ =	shalt  }
0x73: {  	_ =	shalt  }
0x74: {  	_ =	shalt  }
0x75: {  	_ =	shalt  }
0x76: {  	_ =	shalt  }
0x77: {  	_ =	shalt  }
0x78: {  	_ =	shalt  }
0x79: {  	_ =	shalt  }
0x7a: {  	_ =	shalt  }
0x7b: {  	_ =	shalt  }
0x7c: {  	_ =	shalt  }
0x7d: {  	_ =	shalt  }
0x7e: {  	_ =	shalt  }
0x7f: {  	_ =	shalt  }
0x80: {  	_ =	shalt  }
0x81: {  	_ =	shalt  }
0x82: {  	_ =	shalt  }
0x83: {  	_ =	shalt  }
0x84: {  	_ =	shalt  }
0x85: {  	_ =	shalt  }
0x86: {  	_ =	shalt  }
0x87: {  	_ =	shalt  }
.Lfunc_end0:
.L_simem_size_0:
called_computation.1_lowered:
.L_overlay_start_0:
0x88: {  	s2 =	sld [smem:$0x3FD9]  }
0x89: {  	s3 =	sld [smem:$0x3FFE];
	_ =	sdelay $0x1  }
0x8a: {  	s1 =	srdreg.scid  }
0x8b: {  	s0 =	sand.u32 $0x1, s1  }
0x8c: {  	s17 =	sshll.u32 s0, $0xA;
	s2 =	sadd.s32 s3, s2  }
0x8d: {  	s2 =	sadd.s32 s2, s17  }
0x8e: {  	[smem:$0x3FC2] =	sst s2  }
0x8f: {  	_ = 	snop  }
0x90: {  	s2 =	sld [smem:$0x3FD0];
	(tm) =	ssettm $0x1  }
0x91: {  	s18 =	sld [smem:$0x3FFB];
	_ =	sdelay $0x3  }
0x92: {  	_ =	strace s18  }
0x93: {  	s3 =	sld [smem:$0x3FFC];
	_ =	sdelay $0x3  }
0x94: {  	_ =	strace s3  }
0x95: {  	s3 =	sld [smem:$0x3FFD];
	_ =	sdelay $0x3  }
0x96: {  	_ =	strace s3  }
0x97: {  	_ =	strace $0x8FFFFFFF  }
0x98: {  	s19 =	sld [smem:$0x3FDB];
	_ =	sdelay $0x1  }
0x99: {  	s4 =	simm.s32 $_scs_section_size  }
0x9a: {  	s5 =	simm.s32 $_size__tile_overlayer_lowered;
	s6 =	simm.s32 $_tile_overlayer_lowered  }
0x9b: {  	s22 =	simm.s32 $0x1BFF;
	s21 =	sshll.u32 s6, $0x1;
	s3 =	sadd.s32 s4, s19  }
0x9c: {  	s7 =	simm.s32 $0x0;
	s20 =	sshll.u32 s5, $0x1;
	s5 =	sadd.s32 s21, s3  }
0x9d: {  	[timem:s7], [sflag:s22] =	dma.local [hbm:s5], s20  }
0x9e: {  	_ =	swait.ge [sflag:s22], s20  }
0x9f: {  	s4 =	ssub.s32 $0x0, s20;
	[sflag:s22] =	ssyncset.done $0x0  }
0xa0: {  	[sflag:s22] =	ssyncadd.s32 s4;
	_ =	sdelay $0x1  }
0xa1: {  	s23 =	simm.s32 $0x1B8B  }
0xa2: {  	_ =	swait.ge [sflag:s23], $0x1  }
0xa3: {  	[sflag:s23] =	ssyncset.done $0x0  }
0xa4: {  	s25 =	simm.s32 $0x1B8E;
	s24 =	sld [smem:$0x3FFE];
	[sflag:s23] =	ssyncadd.s32 $0xFFFFFFFF  }
0xa5: {  	s26 =	simm.s32 $execute0_lowered;
	[smem:$0x3FD2] =	sst s25  }
0xa6: {  	s5 =	sshll.u32 s26, $0x1;
	_ =	strace $0x80000049;
	[dreg:$0x1] =	wrdreg $0xFFFFFFFF  }
0xa7: {  	s28 =	simm.s32 $_size_execute0_lowered;
	s3 =	sadd.s32 s3, s5;
	[dreg:$0x0] =	wrdreg $0x0  }
0xa8: {  	s5 =	sshll.u32 s28, $0x1;
	[dreg:$0x2] =	wrdreg s3  }
0xa9: {  	[dreg:$0x3] =	wrdreg s5  }
0xaa: {  	[dreg:$0x4] =	wrdreg $0xC0  }
0xab: {  	_ =	task [dreg:s7], $0x5FFFF  }
0xac: {  	[dreg:$0x1] =	wrdreg $0xFFFFFFFF  }
0xad: {  	[dreg:$0x0] =	wrdreg $0x60  }
0xae: {  	[dreg:$0x2] =	wrdreg s2  }
0xaf: {  	[dreg:$0x3] =	wrdreg s24  }
0xb0: {  	[dreg:$0x4] =	wrdreg $0xA8000  }
0xb1: {  	[dreg:$0x5] =	wrdreg $0x9  }
0xb2: {  	_ =	task.clear_ibuf [dreg:s7], $0x6FFFF;
	_ =	strace $0x90000049  }
0xb3: {  	s29 =	simm.s32 $0x9;
	_ =	strace $0x8000004B  }
0xb4: {  	_ =	swait.ge [sflag:s29], $0x1  }
0xb5: {  	[sflag:s29] =	ssyncadd.s32 $0xFFFFFFFF  }
0xb6: {  	_ =	strace $0x9000004B  }
0xb7: {  	_ =	sfence  }
0xb8: {  	s30 =	sld [smem:$0x0];
	_ =	sdelay $0x2  }
0xb9: {  	s31 =	sshll.u32 s1, $0xD;
	s1 =	sshrl.u32 s1, $0x2  }
0xba: {  	s3 =	sand.u32 $0x4000, s31;
	s1 =	sadd.s32 s1, s30  }
0xbb: {  	s0 =	sor.u32 s3, s0;
	s1 =	sshll.u32 s1, $0x11  }
0xbc: {  	s0 =	sor.u32 s1, s0  }
0xbd: {  	s0 =	sadd.s32 $0x8F2B, s0  }
0xbe: {  	[sflag:s0] =	ssyncadd.remote.s32 $0x1  }
0xbf: {  	_ =	sfence.sel $0xFFFF  }
0xc0: {  	[dreg:$0x0] =	wrdreg $0xFFFFFFFF;
	(pc) =	sbr.abs _section_cstart, $3  }
0xc1: {  	[dreg:$0x1] =	wrdreg $0xFFFFFFFF  }
0xc2: {  	_ =	task.clear_ibuf [dreg:s7], $0x2FFFF;
	_ =	strace $0x9FFFFFFF  }
0xc3: {  	(tm) =	ssettm $0x7FFFFFFF  }
tec
execute0_lowered:
.L_overlay_start_1:
0x0: {  	(tag) =	ssettag $0x1  }
0x1: {  	s1 =	rddreg [dreg:$0x0]  }
0x2: {  	s0 =	rddreg [dreg:$0x1]  }
0x3: {  	s2 =	rddreg [dreg:$0x2]  }
0x4: {  	s3 =	srdreg.scid;
	s4 =	simm.s32 $0x0;
	s11 =	stileid.u32  }
0x5: {  	s13 =	simm.s32 $0x5;
	s14 =	simm.s32 $0x1400;
	s15 =	simm.s32 $0x40  }
0x6: {  	s16 =	simm.s32 $0x2800;
	s17 =	simm.s32 $0x80;
	s18 =	simm.s32 $0x4800  }
0x7: {  	s19 =	simm.s32 $0x100;
	s20 =	simm.s32 $0x6800;
	s28 =	simm.s32 $0x2600  }
0x8: {  	s29 =	simm.s32 $0x2680;
	s30 =	simm.s32 $0x2700;
	s31 =	simm.s32 $0x2780  }
0x9: {  	s3 =	sand.u32 $0x1, s3;
	[smem:$0x7FF] =	sst s4;
	s8 =	smul.u32 $0x13C00, s11  }
0xa: {  	s5 =	sadd.s32 $0x67E00, s0;
	s6 =	sadd.s32 $0x53E00, s0;
	s9 =	sadd.s32 $0x2600, s0  }
0xb: {  	s10 =	smul.u32 $0x4F000, s11;
	s24 =	sshll.u32 s11, $0x1;
	s26 =	sshll.u32 s11, $0x6  }
0xc: {  	s7 =	smul.u32 $0x13C000, s3;
	_ =	strace $0x8000004A;
	[dreg:$0x4] =	wrdreg s9  }
0xd: {  	s21 =	ssub.s32 $0x2, s3;
	s3 =	sor.u32 s3, s24;
	s24 =	simm.s32 $0x3  }
0xe: {  	s22 =	sshrl.u32 s21, $0x1;
	s25 =	sshrl.u32 s10, $0x2;
	s9 =	smul.u32 $0xA0, s3  }
0xf: {  	s7 =	sadd.s32 s8, s7;
	s23 =	ssub.s32 s21, s22;
	s12 =	sadd.s32 s25, s2  }
0x10: {  	s8 =	sor.u32 $0x1C05, s26;
	s21 =	simm.s32 $0x1;
	s7 =	sshrl.u32 s7, $0x3  }
0x11: {  	s22 =	simm.s32 $0x8800;
	s25 =	simm.s32 $0x4;
	s0 =	sadd.s32 s7, s0  }
0x12: {  	s26 =	simm.s32 $0x1380;
	s11 =	smax.u32 s23, $0x1;
	s0 =	sadd.s32 $0x4E00, s0  }
0x13: {  	s12 =	sshrl.u32 s12, $0x3;
	s23 =	simm.s32 $0x2;
	[dreg:$0x5] =	wrdreg s0  }
.LBB2_1:
0x14: {  	s0 =	rddreg [dreg:$0x4]  }
0x15: {  	[spmem:s12], [sflag:s8] =	dma.local [hbm:s0], $0x2780  }
0x16: {  	_ =	swait.ge [sflag:s13], $0x2780  }
0x17: {  	[sflag:s13] =	ssyncset.done $0x0  }
0x18: {  	[sflag:s13] =	ssyncadd.s32 $0xFFFFD880  }
0x19: {  	s0 =	simm.s32 $0x0;
	[bflag:$0x0] =	sbarrier.arrive $0xFFFF  }
.LBB2_2:
0x1a: {  	s3 =	smul.u32 $0x28, s0;
	_ =	sdelay $0x1  }
0x1b: {  	s3 =	sadd.s32 s9, s3  }
0x1c: {  	s3 =	sshll.u32 s3, $0x4  }
0x1d: {  	s10 =	simm.s32 $0x0;
	s7 =	sadd.s32 s5, s3  }
0x1e: {  	[tilespmem:s10], [sflag:$0x5] =	stream.linear.gather [hbm4b:s7+s10], $0x1400, $0x38;
	[tilespmem:$0x1E400] =	vst v63  }
0x1f: {  	_ =	swait.ge [sflag:s13], $0x1400  }
0x20: {  	[sflag:s13] =	ssyncset.done $0x0  }
0x21: {  	s3 =	sadd.s32 s6, s3;
	[sflag:s13] =	ssyncadd.s32 $0xFFFFEC00  }
0x22: {  	[tilespmem:s14], [sflag:$0x5] =	stream.linear.gather [hbm4b:s3+s10], $0x1400, $0x38;
	[tilespmem:$0x1E400] =	vst v63  }
0x23: {  	_ =	swait.ge [sflag:s13], $0x1400  }
0x24: {  	[sflag:s13] =	ssyncset.done $0x0  }
0x25: {  	[sflag:s13] =	ssyncadd.s32 $0xFFFFEC00  }
0x26: {  	[tilespmem:s16], [sflag:$0x1] =	stream.indirect.gather [hbm4b:s1+s15], $0x80, s10, s15, $0xb8;
	[tilespmem:$0x1E400] =	vst v63  }
0x27: {  	_ = 	snop  }
0x28: {  	[tilespmem:s18], [sflag:$0x2] =	stream.indirect.gather [hbm4b:s1+s15], $0x80, s17, s15, $0xb8;
	[tilespmem:$0x1E400] =	vst v63  }
0x29: {  	_ = 	snop  }
0x2a: {  	[tilespmem:s20], [sflag:$0x3] =	stream.indirect.gather [hbm4b:s1+s15], $0x80, s19, s15, $0xb8;
	[tilespmem:$0x1E400] =	vst v63  }
0x2b: {  	_ =	swait.ge [sflag:s21], $0x2000  }
0x2c: {  	[sflag:s21] =	ssyncset.done $0x0  }
0x2d: {  	s7 =	simm.s32 $0x180;
	[sflag:s21] =	ssyncadd.s32 $0xFFFFE000  }
0x2e: {  	[tilespmem:s22], [sflag:$0x4] =	stream.indirect.gather [hbm4b:s1+s15], $0x80, s7, s15, $0xb8;
	[tilespmem:$0x1E400] =	vst v63  }
0x2f: {  	s10 =	simm.s32 $0x1400  }
0x30: {  	[spmem:s2] =	stream.indirect.scatter.add.f32 [tilespmem:s16], [sflag:$0x5], $0x80, s10, s15, $0xb8;
	[tilespmem:$0x1E400] =	vst v63  }
0x31: {  	_ =	swait.ge [sflag:s13], $0x2000  }
0x32: {  	[sflag:s13] =	ssyncset.done $0x0  }
0x33: {  	[sflag:s13] =	ssyncadd.s32 $0xFFFFE000  }
0x34: {  	_ =	swait.ge [sflag:s23], $0x2000  }
0x35: {  	[sflag:s23] =	ssyncset.done $0x0  }
0x36: {  	s7 =	simm.s32 $0x200;
	[sflag:s23] =	ssyncadd.s32 $0xFFFFE000  }
0x37: {  	[tilespmem:s16], [sflag:$0x1] =	stream.indirect.gather [hbm4b:s1+s15], $0x80, s7, s15, $0xb8;
	[tilespmem:$0x1E400] =	vst v63  }
0x38: {  	s10 =	simm.s32 $0x1480  }
0x39: {  	[spmem:s2] =	stream.indirect.scatter.add.f32 [tilespmem:s18], [sflag:$0x5], $0x80, s10, s15, $0xb8;
	[tilespmem:$0x1E400] =	vst v63  }
0x3a: {  	_ =	swait.ge [sflag:s13], $0x2000  }
0x3b: {  	[sflag:s13] =	ssyncset.done $0x0  }
0x3c: {  	[sflag:s13] =	ssyncadd.s32 $0xFFFFE000  }
0x3d: {  	_ =	swait.ge [sflag:s24], $0x2000  }
0x3e: {  	[sflag:s24] =	ssyncset.done $0x0  }
0x3f: {  	s7 =	simm.s32 $0x280;
	[sflag:s24] =	ssyncadd.s32 $0xFFFFE000  }
0x40: {  	[tilespmem:s18], [sflag:$0x2] =	stream.indirect.gather [hbm4b:s1+s15], $0x80, s7, s15, $0xb8;
	[tilespmem:$0x1E400] =	vst v63  }
0x41: {  	s10 =	simm.s32 $0x1500  }
0x42: {  	[spmem:s2] =	stream.indirect.scatter.add.f32 [tilespmem:s20], [sflag:$0x5], $0x80, s10, s15, $0xb8;
	[tilespmem:$0x1E400] =	vst v63  }
0x43: {  	_ =	swait.ge [sflag:s13], $0x2000  }
0x44: {  	[sflag:s13] =	ssyncset.done $0x0  }
0x45: {  	[sflag:s13] =	ssyncadd.s32 $0xFFFFE000  }
0x46: {  	_ =	swait.ge [sflag:s25], $0x2000  }
0x47: {  	[sflag:s25] =	ssyncset.done $0x0  }
0x48: {  	s7 =	simm.s32 $0x300;
	[sflag:s25] =	ssyncadd.s32 $0xFFFFE000  }
0x49: {  	[tilespmem:s20], [sflag:$0x3] =	stream.indirect.gather [hbm4b:s1+s15], $0x80, s7, s15, $0xb8;
	[tilespmem:$0x1E400] =	vst v63  }
0x4a: {  	s10 =	simm.s32 $0x1580  }
0x4b: {  	[spmem:s2] =	stream.indirect.scatter.add.f32 [tilespmem:s22], [sflag:$0x5], $0x80, s10, s15, $0xb8;
	[tilespmem:$0x1E400] =	vst v63  }
0x4c: {  	_ =	swait.ge [sflag:s13], $0x2000  }
0x4d: {  	s3 =	simm.s32 $0x800;
	[sflag:s13] =	ssyncset.done $0x0  }
.LBB2_3:
0x4e: {  	p0 =	sne.s32 s3, $0x4000  }
0x4f: {  	[sflag:s13] =	ssyncadd.s32 $0xFFFFE000;
	s7 =	smov.u32 s3;
	s3 =	sadd.s32 $0x800, s3  }
0x50: {  	_ = 	snop  }
0x51: {  	_ =	swait.ge [sflag:s21], $0x2000  }
0x52: {  	s7 =	sshra.s32 s7, $0x2;
	[sflag:s21] =	ssyncset.done $0x0  }
0x53: {  	s10 =	sadd.s32 $0x180, s7;
	[sflag:s21] =	ssyncadd.s32 $0xFFFFE000  }
0x54: {  	[tilespmem:s22], [sflag:$0x4] =	stream.indirect.gather [hbm4b:s1+s15], $0x80, s10, s15, $0xb8;
	[tilespmem:$0x1E400] =	vst v63  }
0x55: {  	s10 =	sadd.s32 $0x1400, s7  }
0x56: {  	[spmem:s2] =	stream.indirect.scatter.add.f32 [tilespmem:s16], [sflag:$0x5], $0x80, s10, s15, $0xb8;
	[tilespmem:$0x1E400] =	vst v63  }
0x57: {  	_ =	swait.ge [sflag:s13], $0x2000  }
0x58: {  	[sflag:s13] =	ssyncset.done $0x0  }
0x59: {  	[sflag:s13] =	ssyncadd.s32 $0xFFFFE000  }
0x5a: {  	_ =	swait.ge [sflag:s23], $0x2000  }
0x5b: {  	[sflag:s23] =	ssyncset.done $0x0  }
0x5c: {  	s10 =	sadd.s32 $0x200, s7;
	[sflag:s23] =	ssyncadd.s32 $0xFFFFE000  }
0x5d: {  	[tilespmem:s16], [sflag:$0x1] =	stream.indirect.gather [hbm4b:s1+s15], $0x80, s10, s15, $0xb8;
	[tilespmem:$0x1E400] =	vst v63  }
0x5e: {  	s10 =	sadd.s32 $0x1480, s7  }
0x5f: {  	[spmem:s2] =	stream.indirect.scatter.add.f32 [tilespmem:s18], [sflag:$0x5], $0x80, s10, s15, $0xb8;
	[tilespmem:$0x1E400] =	vst v63  }
0x60: {  	_ =	swait.ge [sflag:s13], $0x2000  }
0x61: {  	[sflag:s13] =	ssyncset.done $0x0  }
0x62: {  	[sflag:s13] =	ssyncadd.s32 $0xFFFFE000  }
0x63: {  	_ =	swait.ge [sflag:s24], $0x2000  }
0x64: {  	[sflag:s24] =	ssyncset.done $0x0  }
0x65: {  	s10 =	sadd.s32 $0x280, s7;
	[sflag:s24] =	ssyncadd.s32 $0xFFFFE000  }
0x66: {  	[tilespmem:s18], [sflag:$0x2] =	stream.indirect.gather [hbm4b:s1+s15], $0x80, s10, s15, $0xb8;
	[tilespmem:$0x1E400] =	vst v63  }
0x67: {  	s10 =	sadd.s32 $0x1500, s7  }
0x68: {  	[spmem:s2] =	stream.indirect.scatter.add.f32 [tilespmem:s20], [sflag:$0x5], $0x80, s10, s15, $0xb8;
	[tilespmem:$0x1E400] =	vst v63  }
0x69: {  	_ =	swait.ge [sflag:s13], $0x2000  }
0x6a: {  	[sflag:s13] =	ssyncset.done $0x0  }
0x6b: {  	[sflag:s13] =	ssyncadd.s32 $0xFFFFE000  }
0x6c: {  	_ =	swait.ge [sflag:s25], $0x2000  }
0x6d: {  	[sflag:s25] =	ssyncset.done $0x0  }
0x6e: {  	s10 =	sadd.s32 $0x300, s7;
	[sflag:s25] =	ssyncadd.s32 $0xFFFFE000  }
0x6f: {  	[tilespmem:s20], [sflag:$0x3] =	stream.indirect.gather [hbm4b:s1+s15], $0x80, s10, s15, $0xb8;
	[tilespmem:$0x1E400] =	vst v63  }
.Ltmp0:
0x70: {  	_ = 	snop;
	(pc) =	sbr.rel @p0 .LBB2_3-.Ltmp0, $4  }
0x71: {  	s7 =	sadd.s32 $0x1580, s7  }
0x72: {  	[spmem:s2] =	stream.indirect.scatter.add.f32 [tilespmem:s22], [sflag:$0x5], $0x80, s7, s15, $0xb8;
	[tilespmem:$0x1E400] =	vst v63  }
0x73: {  	_ =	swait.ge [sflag:s13], $0x2000  }
0x74: {  	[sflag:s13] =	ssyncset.done $0x0  }
0x75: {  	[sflag:s13] =	ssyncadd.s32 $0xFFFFE000  }
0x76: {  	_ =	swait.ge [sflag:s21], $0x2000  }
0x77: {  	[sflag:s21] =	ssyncset.done $0x0  }
0x78: {  	[sflag:s21] =	ssyncadd.s32 $0xFFFFE000  }
0x79: {  	[tilespmem:s22], [sflag:$0x4] =	stream.indirect.gather [hbm4b:s1+s15], $0x80, s26, s15, $0xb8;
	[tilespmem:$0x1E400] =	vst v63  }
0x7a: {  	_ = 	snop  }
0x7b: {  	[spmem:s2] =	stream.indirect.scatter.add.f32 [tilespmem:s16], [sflag:$0x5], $0x80, s28, s15, $0xb8;
	[tilespmem:$0x1E400] =	vst v63  }
0x7c: {  	_ =	swait.ge [sflag:s13], $0x2000  }
0x7d: {  	[sflag:s13] =	ssyncset.done $0x0  }
0x7e: {  	[sflag:s13] =	ssyncadd.s32 $0xFFFFE000  }
0x7f: {  	_ =	swait.ge [sflag:s23], $0x2000  }
0x80: {  	[sflag:s23] =	ssyncset.done $0x0  }
0x81: {  	[sflag:s23] =	ssyncadd.s32 $0xFFFFE000  }
0x82: {  	[spmem:s2] =	stream.indirect.scatter.add.f32 [tilespmem:s18], [sflag:$0x5], $0x80, s29, s15, $0xb8;
	[tilespmem:$0x1E400] =	vst v63  }
0x83: {  	_ =	swait.ge [sflag:s13], $0x2000  }
0x84: {  	[sflag:s13] =	ssyncset.done $0x0  }
0x85: {  	[sflag:s13] =	ssyncadd.s32 $0xFFFFE000  }
0x86: {  	_ =	swait.ge [sflag:s24], $0x2000  }
0x87: {  	[sflag:s24] =	ssyncset.done $0x0  }
0x88: {  	[sflag:s24] =	ssyncadd.s32 $0xFFFFE000  }
0x89: {  	[spmem:s2] =	stream.indirect.scatter.add.f32 [tilespmem:s20], [sflag:$0x5], $0x80, s30, s15, $0xb8;
	[tilespmem:$0x1E400] =	vst v63  }
0x8a: {  	_ =	swait.ge [sflag:s13], $0x2000  }
0x8b: {  	[sflag:s13] =	ssyncset.done $0x0  }
0x8c: {  	[sflag:s13] =	ssyncadd.s32 $0xFFFFE000  }
0x8d: {  	s0 =	sadd.s32 $0x1, s0;
	_ =	swait.ge [sflag:s25], $0x2000  }
0x8e: {  	p0 =	sne.s32 s0, $0x4;
	[sflag:s25] =	ssyncset.done $0x0  }
.Ltmp1:
0x8f: {  	[sflag:s25] =	ssyncadd.s32 $0xFFFFE000;
	(pc) =	sbr.rel @p0 .LBB2_2-.Ltmp1, $4  }
0x90: {  	[spmem:s2] =	stream.indirect.scatter.add.f32 [tilespmem:s22], [sflag:$0x5], $0x80, s31, s15, $0xb8;
	[tilespmem:$0x1E400] =	vst v63  }
0x91: {  	_ =	swait.ge [sflag:s13], $0x2000  }
0x92: {  	[sflag:s13] =	ssyncset.done $0x0  }
0x93: {  	[sflag:s13] =	ssyncadd.s32 $0xFFFFE000  }
0x94: {  	s4 =	sadd.s32 $0x1, s4  }
0x95: {  	[bflag:$0x0] =	sbarrier.arrive $0xFFFF;
	p0 =	sne.s32 s4, s11  }
.Ltmp2:
0x96: {  	s0 =	rddreg [dreg:$0x5];
	(pc) =	sbr.rel @p0 .LBB2_1-.Ltmp2, $4  }
0x97: {  	[hbm:s0], [sflag:s8] =	dma.local [spmem:s12], $0x2780  }
0x98: {  	_ =	swait.ge [sflag:s13], $0x2780  }
0x99: {  	[sflag:s13] =	ssyncset.done $0x0  }
0x9a: {  	[sflag:s13] =	ssyncadd.s32 $0xFFFFD880  }
0x9b: {  	_ =	sfence.sel $0x180000  }
0x9c: {  	[bflag:$0x0] =	sbarrier.arrive $0xFFFF  }
0x9d: {  	_ =	strace $0x9000004A  }
0x9e: {  	s0 =	stileid.u32;
	[bflag:$0x2] =	sbarrier.arrive $0xFFFF  }
0x9f: {  	p0 =	sne.s32 s0, $0x0;
	s0 =	rddreg [dreg:$0x3]  }
0xa0: {  	s0 =	sadd.s32 @!p0 $0x100000, s0  }
0xa1: {  	[sflag:s0] =	ssyncadd.tile.s32 @!p0 $0x1;
	_ =	shalt  }
.Lfunc_end2:
_tile_overlayer_lowered:
.L_overlay_start_2:
0xa2: {  	(tag) =	ssettag $0x2  }
0xa3: {  	s0 =	rddreg [dreg:$0x0];
	s2 =	stileid.u32  }
0xa4: {  	s1 =	rddreg [dreg:$0x1];
	p0 =	sne.s32 s2, $0x0  }
0xa5: {  	s3 =	rddreg [dreg:$0x2];
	[bflag:$0x3] =	sbarrier.arrive $0xFFFF;
	s2 =	simm.s32 @!p0 $0x1C05  }
0xa6: {  	[timem:s3], [sflag:s2] =	dma.local @!p0 [hbm:s0], s1  }
0xa7: {  	s0 =	simm.s32 @!p0 $0x5  }
0xa8: {  	_ =	swait.ge @!p0 [sflag:s0], s1  }
0xa9: {  	s1 =	ssub.s32 @!p0 $0x0, s1;
	[sflag:s0] =	ssyncset.done @!p0 $0x0  }
0xaa: {  	[sflag:s0] =	ssyncadd.s32 @!p0 s1  }
0xab: {  	[bflag:$0x3] =	sbarrier.arrive $0xFFFF  }
0xac: {  	_ =	shalt  }

// kernel: kernel.14.cloned.1.call-start
scs
__scs_entry_jumppad:
0x0: {  	(pc) =	sbr.rel $0x88, $3  }
0x1: {  	(tag) =	ssettag $0x0;
	lr =	simm.s32 $0x1  }
0x2: {  	[smem:$0x3F9B] =	sst lr;
	_ =	strace $0xD0000000  }
0x3: {  	_ = 	snop  }
0x4: {  	_ = 	snop  }
0x5: {  	_ = 	snop  }
0x6: {  	_ = 	snop  }
0x7: {  	_ = 	snop  }
__scs_overlays_trampoline_lowered:
0x8: {  	[smem:$0x3FAA] =	sst s0  }
0x9: {  	[smem:$0x3FAB] =	sst s1  }
0xa: {  	[smem:$0x3FAC] =	sst s2  }
0xb: {  	[smem:$0x3FAD] =	sst s3  }
0xc: {  	[smem:$0x3FAE] =	sst s4  }
0xd: {  	[smem:$0x3FAF] =	sst s5  }
0xe: {  	[smem:$0x3FB0] =	sst s6  }
0xf: {  	[smem:$0x3FB1] =	sst s7  }
0x10: {  	[smem:$0x3FB2] =	sst s8  }
0x11: {  	[smem:$0x3FB3] =	sst s9;
	s0 =	simm.s32 @!p0 $0x0  }
0x12: {  	s1 =	sld [smem:$0x3F99];
	s0 =	simm.s32 @p0 $0x1  }
0x13: {  	[smem:$0x3FB4] =	sst s0;
	s0 =	simm.s32 @!p1 $0x0  }
0x14: {  	s2 =	sld [smem:$0x3F98];
	s0 =	simm.s32 @p1 $0x1  }
0x15: {  	[smem:$0x3FB5] =	sst s0;
	s0 =	simm.s32 @!p2 $0x0  }
0x16: {  	s3 =	sld [smem:$0x3FDB];
	s0 =	simm.s32 @p2 $0x1  }
0x17: {  	s4 =	simm.s32 $0x1BF5;
	[smem:$0x3FB7] =	sst s0  }
0x18: {  	s0 =	sld [smem:$0x3F9A];
	_ =	swait.ge [sflag:s4], $0x0  }
0x19: {  	s7 =	sld [smem:$0x3F9B]  }
0x1a: {  	s8 =	sadd.s32 $0xFFFFE003, lr  }
0x1b: {  	s9 =	sadd.s32 $0xFFFFFEF7, lr;
	s5 =	simm.s32 $0xFFFFFFFF;
	p2 =	slt.u32 s8, $0xFFFFF086  }
0x1c: {  	p1 =	slt.u32 s9, $0xF7A;
	s5 =	simm.s32 @!p2 $0x0  }
0x1d: {  	s5 =	simm.s32 @p1 $0x1;
	p0 =	seq.s32 s7, s2  }
0x1e: {  	s7 =	smul.u32 @!p0 $0xF7A, s2;
	p2 =	seq.s32 @!p0 s5, $0x0  }
0x1f: {  	s9 =	smul.u32 $0xF7A, s1;
	s8 =	simm.s32 @!p0 $0x1BF5;
	p2 =	por !p2, p0  }
0x20: {  	[sflag:s8] =	ssyncset.s32 @!p0 $0xFFFFF086;
	s6 =	sadd.s32 @!p0 s3, s7;
	s7 =	simm.s32 @!p0 $0x108  }
0x21: {  	s3 =	sadd.s32 s3, s9;
	s6 =	sadd.s32 @!p0 $0x88, s6;
	s7 =	simm.s32 @p2 $0x1082  }
0x22: {  	[simem:s7], [sflag:s8] =	dma.local @!p0 [hbm:s6], $0xF7A  }
0x23: {  	s9 =	sor.u32 $0xD0000000, s2;
	s6 =	simm.s32 $0x108;
	_ =	swait.ge @!p0 [sflag:s8], $0x0  }
0x24: {  	s3 =	sadd.s32 $0x88, s3;
	s6 =	simm.s32 @!p1 $0x1082;
	[sflag:s4] =	ssyncset.s32 $0xFFFFF086  }
0x25: {  	[simem:s6], [sflag:s4] =	dma.local [hbm:s3], $0xF7A  }
0x26: {  	[smem:$0x3F9B] =	sst s1;
	(tag) =	ssettag s2;
	_ =	strace s9  }
0x27: {  	s1 =	sld [smem:$0x3FAB]  }
0x28: {  	s2 =	sld [smem:$0x3FAC]  }
0x29: {  	s4 =	sld [smem:$0x3FAE]  }
0x2a: {  	p0 =	seq.s32 s5, $0x0;
	s5 =	sld [smem:$0x3FAF]  }
0x2b: {  	s6 =	sld [smem:$0x3FB0]  }
0x2c: {  	s7 =	sld [smem:$0x3FB1]  }
0x2d: {  	s3 =	simm.s32 $0x108;
	s8 =	sld [smem:$0x3FB2]  }
0x2e: {  	s3 =	simm.s32 @!p0 $0x1082;
	s9 =	sld [smem:$0x3FB3]  }
0x2f: {  	lr =	sadd.s32 s0, s3;
	s0 =	sld [smem:$0x3FAA]  }
0x30: {  	s3 =	sld [smem:$0x3FAD]  }
0x31: {  	[smem:$0x3FB6] =	sst s10  }
0x32: {  	s10 =	sld [smem:$0x3FB4];
	_ =	sdelay $0x3  }
0x33: {  	p0 =	seq.s32 s10, $0x1;
	s10 =	sld [smem:$0x3FB6];
	_ =	sdelay $0x3  }
0x34: {  	[smem:$0x3FB6] =	sst s10  }
0x35: {  	s10 =	sld [smem:$0x3FB5];
	_ =	sdelay $0x3  }
0x36: {  	p1 =	seq.s32 s10, $0x1;
	s10 =	sld [smem:$0x3FB6];
	_ =	sdelay $0x3  }
0x37: {  	[smem:$0x3FB6] =	sst s10  }
0x38: {  	s10 =	sld [smem:$0x3FB7]  }
0x39: {  	_ = 	snop;
	(pc) =	sbr.ind lr, $3  }
0x3a: {  	_ = 	snop  }
0x3b: {  	_ = 	snop  }
0x3c: {  	p2 =	seq.s32 s10, $0x1;
	s10 =	sld [smem:$0x3FB6]  }
0x3d: {  	_ =	shalt  }
0x3e: {  	_ =	shalt  }
0x3f: {  	_ =	shalt  }
0x40: {  	_ =	shalt  }
0x41: {  	_ =	shalt  }
0x42: {  	_ =	shalt  }
0x43: {  	_ =	shalt  }
0x44: {  	_ =	shalt  }
0x45: {  	_ =	shalt  }
0x46: {  	_ =	shalt  }
0x47: {  	_ =	shalt  }
0x48: {  	_ =	shalt  }
0x49: {  	_ =	shalt  }
0x4a: {  	_ =	shalt  }
0x4b: {  	_ =	shalt  }
0x4c: {  	_ =	shalt  }
0x4d: {  	_ =	shalt  }
0x4e: {  	_ =	shalt  }
0x4f: {  	_ =	shalt  }
0x50: {  	_ =	shalt  }
0x51: {  	_ =	shalt  }
0x52: {  	_ =	shalt  }
0x53: {  	_ =	shalt  }
0x54: {  	_ =	shalt  }
0x55: {  	_ =	shalt  }
0x56: {  	_ =	shalt  }
0x57: {  	_ =	shalt  }
0x58: {  	_ =	shalt  }
0x59: {  	_ =	shalt  }
0x5a: {  	_ =	shalt  }
0x5b: {  	_ =	shalt  }
0x5c: {  	_ =	shalt  }
0x5d: {  	_ =	shalt  }
0x5e: {  	_ =	shalt  }
0x5f: {  	_ =	shalt  }
0x60: {  	_ =	shalt  }
0x61: {  	_ =	shalt  }
0x62: {  	_ =	shalt  }
0x63: {  	_ =	shalt  }
0x64: {  	_ =	shalt  }
0x65: {  	_ =	shalt  }
0x66: {  	_ =	shalt  }
0x67: {  	_ =	shalt  }
0x68: {  	_ =	shalt  }
0x69: {  	_ =	shalt  }
0x6a: {  	_ =	shalt  }
0x6b: {  	_ =	shalt  }
0x6c: {  	_ =	shalt  }
0x6d: {  	_ =	shalt  }
0x6e: {  	_ =	shalt  }
0x6f: {  	_ =	shalt  }
0x70: {  	_ =	shalt  }
0x71: {  	_ =	shalt  }
0x72: {  	_ =	shalt  }
0x73: {  	_ =	shalt  }
0x74: {  	_ =	shalt  }
0x75: {  	_ =	shalt  }
0x76: {  	_ =	shalt  }
0x77: {  	_ =	shalt  }
0x78: {  	_ =	shalt  }
0x79: {  	_ =	shalt  }
0x7a: {  	_ =	shalt  }
0x7b: {  	_ =	shalt  }
0x7c: {  	_ =	shalt  }
0x7d: {  	_ =	shalt  }
0x7e: {  	_ =	shalt  }
0x7f: {  	_ =	shalt  }
0x80: {  	_ =	shalt  }
0x81: {  	_ =	shalt  }
0x82: {  	_ =	shalt  }
0x83: {  	_ =	shalt  }
0x84: {  	_ =	shalt  }
0x85: {  	_ =	shalt  }
0x86: {  	_ =	shalt  }
0x87: {  	_ =	shalt  }
.Lfunc_end0:
.L_simem_size_0:
called_computation.2_lowered:
.L_overlay_start_0:
0x88: {  	s2 =	sld [smem:$0x3FD9]  }
0x89: {  	s3 =	sld [smem:$0x3FFE];
	_ =	sdelay $0x1  }
0x8a: {  	s1 =	srdreg.scid  }
0x8b: {  	s0 =	sand.u32 $0x1, s1  }
0x8c: {  	s17 =	sshll.u32 s0, $0xA;
	s2 =	sadd.s32 s3, s2  }
0x8d: {  	s2 =	sadd.s32 s2, s17  }
0x8e: {  	[smem:$0x3FC2] =	sst s2  }
0x8f: {  	_ = 	snop  }
0x90: {  	s2 =	sld [smem:$0x3FD0];
	(tm) =	ssettm $0x1  }
0x91: {  	s18 =	sld [smem:$0x3FFB];
	_ =	sdelay $0x3  }
0x92: {  	_ =	strace s18  }
0x93: {  	s3 =	sld [smem:$0x3FFC];
	_ =	sdelay $0x3  }
0x94: {  	_ =	strace s3  }
0x95: {  	s3 =	sld [smem:$0x3FFD];
	_ =	sdelay $0x3  }
0x96: {  	_ =	strace s3  }
0x97: {  	_ =	strace $0x8FFFFFFF  }
0x98: {  	s19 =	sld [smem:$0x3FDB];
	_ =	sdelay $0x1  }
0x99: {  	s4 =	simm.s32 $_scs_section_size  }
0x9a: {  	s5 =	simm.s32 $_size__tile_overlayer_lowered;
	s6 =	simm.s32 $_tile_overlayer_lowered  }
0x9b: {  	s22 =	simm.s32 $0x1BFF;
	s21 =	sshll.u32 s6, $0x1;
	s3 =	sadd.s32 s4, s19  }
0x9c: {  	s7 =	simm.s32 $0x0;
	s20 =	sshll.u32 s5, $0x1;
	s5 =	sadd.s32 s21, s3  }
0x9d: {  	[timem:s7], [sflag:s22] =	dma.local [hbm:s5], s20  }
0x9e: {  	_ =	swait.ge [sflag:s22], s20  }
0x9f: {  	s4 =	ssub.s32 $0x0, s20;
	[sflag:s22] =	ssyncset.done $0x0  }
0xa0: {  	[sflag:s22] =	ssyncadd.s32 s4;
	_ =	sdelay $0x1  }
0xa1: {  	s23 =	simm.s32 $0x1B8B  }
0xa2: {  	_ =	swait.ge [sflag:s23], $0x1  }
0xa3: {  	[sflag:s23] =	ssyncset.done $0x0  }
0xa4: {  	s25 =	simm.s32 $0x1B8E;
	s24 =	sld [smem:$0x3FFE];
	[sflag:s23] =	ssyncadd.s32 $0xFFFFFFFF  }
0xa5: {  	s26 =	simm.s32 $execute0_lowered;
	[smem:$0x3FD2] =	sst s25  }
0xa6: {  	s5 =	sshll.u32 s26, $0x1;
	_ =	strace $0x8000004C;
	[dreg:$0x1] =	wrdreg $0xFFFFFFFF  }
0xa7: {  	s28 =	simm.s32 $_size_execute0_lowered;
	s3 =	sadd.s32 s3, s5;
	[dreg:$0x0] =	wrdreg $0x0  }
0xa8: {  	s5 =	sshll.u32 s28, $0x1;
	[dreg:$0x2] =	wrdreg s3  }
0xa9: {  	[dreg:$0x3] =	wrdreg s5  }
0xaa: {  	[dreg:$0x4] =	wrdreg $0xC0  }
0xab: {  	_ =	task [dreg:s7], $0x5FFFF  }
0xac: {  	[dreg:$0x1] =	wrdreg $0xFFFFFFFF  }
0xad: {  	[dreg:$0x0] =	wrdreg $0x60  }
0xae: {  	[dreg:$0x2] =	wrdreg s2  }
0xaf: {  	[dreg:$0x3] =	wrdreg s24  }
0xb0: {  	[dreg:$0x4] =	wrdreg $0xA8000  }
0xb1: {  	[dreg:$0x5] =	wrdreg $0x9  }
0xb2: {  	_ =	task.clear_ibuf [dreg:s7], $0x6FFFF;
	_ =	strace $0x9000004C  }
0xb3: {  	s29 =	simm.s32 $0x9;
	_ =	strace $0x8000004E  }
0xb4: {  	_ =	swait.ge [sflag:s29], $0x1  }
0xb5: {  	[sflag:s29] =	ssyncadd.s32 $0xFFFFFFFF  }
0xb6: {  	_ =	strace $0x9000004E  }
0xb7: {  	_ =	sfence  }
0xb8: {  	s30 =	sld [smem:$0x0];
	_ =	sdelay $0x2  }
0xb9: {  	s31 =	sshll.u32 s1, $0xD;
	s1 =	sshrl.u32 s1, $0x2  }
0xba: {  	s3 =	sand.u32 $0x4000, s31;
	s1 =	sadd.s32 s1, s30  }
0xbb: {  	s0 =	sor.u32 s3, s0;
	s1 =	sshll.u32 s1, $0x11  }
0xbc: {  	s0 =	sor.u32 s1, s0  }
0xbd: {  	s0 =	sadd.s32 $0x8F2B, s0  }
0xbe: {  	[sflag:s0] =	ssyncadd.remote.s32 $0x1  }
0xbf: {  	_ =	sfence.sel $0xFFFF  }
0xc0: {  	[dreg:$0x0] =	wrdreg $0xFFFFFFFF;
	(pc) =	sbr.abs _section_cstart, $3  }
0xc1: {  	[dreg:$0x1] =	wrdreg $0xFFFFFFFF  }
0xc2: {  	_ =	task.clear_ibuf [dreg:s7], $0x2FFFF;
	_ =	strace $0x9FFFFFFF  }
0xc3: {  	(tm) =	ssettm $0x7FFFFFFF  }
tec
execute0_lowered:
.L_overlay_start_1:
0x0: {  	(tag) =	ssettag $0x1  }
0x1: {  	s1 =	rddreg [dreg:$0x0]  }
0x2: {  	s0 =	rddreg [dreg:$0x1]  }
0x3: {  	s2 =	rddreg [dreg:$0x2]  }
0x4: {  	s3 =	srdreg.scid;
	s4 =	simm.s32 $0x0;
	s11 =	stileid.u32  }
0x5: {  	s13 =	simm.s32 $0x5;
	s14 =	simm.s32 $0x1400;
	s15 =	simm.s32 $0x40  }
0x6: {  	s16 =	simm.s32 $0x2800;
	s17 =	simm.s32 $0x80;
	s18 =	simm.s32 $0x4800  }
0x7: {  	s19 =	simm.s32 $0x100;
	s20 =	simm.s32 $0x6800;
	s28 =	simm.s32 $0x2600  }
0x8: {  	s29 =	simm.s32 $0x2680;
	s30 =	simm.s32 $0x2700;
	s31 =	simm.s32 $0x2780  }
0x9: {  	s3 =	sand.u32 $0x1, s3;
	[smem:$0x7FF] =	sst s4;
	s8 =	smul.u32 $0x13C00, s11  }
0xa: {  	s5 =	sadd.s32 $0x67E00, s0;
	s6 =	sadd.s32 $0x53E00, s0;
	s9 =	sadd.s32 $0x2600, s0  }
0xb: {  	s10 =	smul.u32 $0x4F000, s11;
	s24 =	sshll.u32 s11, $0x1;
	s26 =	sshll.u32 s11, $0x6  }
0xc: {  	s7 =	smul.u32 $0x13C000, s3;
	_ =	strace $0x8000004D;
	[dreg:$0x4] =	wrdreg s9  }
0xd: {  	s21 =	ssub.s32 $0x2, s3;
	s3 =	sor.u32 s3, s24;
	s24 =	simm.s32 $0x3  }
0xe: {  	s22 =	sshrl.u32 s21, $0x1;
	s25 =	sshrl.u32 s10, $0x2;
	s9 =	smul.u32 $0xA0, s3  }
0xf: {  	s7 =	sadd.s32 s8, s7;
	s23 =	ssub.s32 s21, s22;
	s12 =	sadd.s32 s25, s2  }
0x10: {  	s8 =	sor.u32 $0x1C05, s26;
	s21 =	simm.s32 $0x1;
	s7 =	sshrl.u32 s7, $0x3  }
0x11: {  	s22 =	simm.s32 $0x8800;
	s25 =	simm.s32 $0x4;
	s0 =	sadd.s32 s7, s0  }
0x12: {  	s26 =	simm.s32 $0x1380;
	s11 =	smax.u32 s23, $0x1;
	s0 =	sadd.s32 $0x4E00, s0  }
0x13: {  	s12 =	sshrl.u32 s12, $0x3;
	s23 =	simm.s32 $0x2;
	[dreg:$0x5] =	wrdreg s0  }
.LBB2_1:
0x14: {  	s0 =	rddreg [dreg:$0x4]  }
0x15: {  	[spmem:s12], [sflag:s8] =	dma.local [hbm:s0], $0x2780  }
0x16: {  	_ =	swait.ge [sflag:s13], $0x2780  }
0x17: {  	[sflag:s13] =	ssyncset.done $0x0  }
0x18: {  	[sflag:s13] =	ssyncadd.s32 $0xFFFFD880  }
0x19: {  	s0 =	simm.s32 $0x0;
	[bflag:$0x0] =	sbarrier.arrive $0xFFFF  }
.LBB2_2:
0x1a: {  	s3 =	smul.u32 $0x28, s0;
	_ =	sdelay $0x1  }
0x1b: {  	s3 =	sadd.s32 s9, s3  }
0x1c: {  	s3 =	sshll.u32 s3, $0x4  }
0x1d: {  	s10 =	simm.s32 $0x0;
	s7 =	sadd.s32 s5, s3  }
0x1e: {  	[tilespmem:s10], [sflag:$0x5] =	stream.linear.gather [hbm4b:s7+s10], $0x1400, $0x38;
	[tilespmem:$0x1E400] =	vst v63  }
0x1f: {  	_ =	swait.ge [sflag:s13], $0x1400  }
0x20: {  	[sflag:s13] =	ssyncset.done $0x0  }
0x21: {  	s3 =	sadd.s32 s6, s3;
	[sflag:s13] =	ssyncadd.s32 $0xFFFFEC00  }
0x22: {  	[tilespmem:s14], [sflag:$0x5] =	stream.linear.gather [hbm4b:s3+s10], $0x1400, $0x38;
	[tilespmem:$0x1E400] =	vst v63  }
0x23: {  	_ =	swait.ge [sflag:s13], $0x1400  }
0x24: {  	[sflag:s13] =	ssyncset.done $0x0  }
0x25: {  	[sflag:s13] =	ssyncadd.s32 $0xFFFFEC00  }
0x26: {  	[tilespmem:s16], [sflag:$0x1] =	stream.indirect.gather [hbm4b:s1+s15], $0x80, s10, s15, $0xb8;
	[tilespmem:$0x1E400] =	vst v63  }
0x27: {  	_ = 	snop  }
0x28: {  	[tilespmem:s18], [sflag:$0x2] =	stream.indirect.gather [hbm4b:s1+s15], $0x80, s17, s15, $0xb8;
	[tilespmem:$0x1E400] =	vst v63  }
0x29: {  	_ = 	snop  }
0x2a: {  	[tilespmem:s20], [sflag:$0x3] =	stream.indirect.gather [hbm4b:s1+s15], $0x80, s19, s15, $0xb8;
	[tilespmem:$0x1E400] =	vst v63  }
0x2b: {  	_ =	swait.ge [sflag:s21], $0x2000  }
0x2c: {  	[sflag:s21] =	ssyncset.done $0x0  }
0x2d: {  	s7 =	simm.s32 $0x180;
	[sflag:s21] =	ssyncadd.s32 $0xFFFFE000  }
0x2e: {  	[tilespmem:s22], [sflag:$0x4] =	stream.indirect.gather [hbm4b:s1+s15], $0x80, s7, s15, $0xb8;
	[tilespmem:$0x1E400] =	vst v63  }
0x2f: {  	s10 =	simm.s32 $0x1400  }
0x30: {  	[spmem:s2] =	stream.indirect.scatter.add.f32 [tilespmem:s16], [sflag:$0x5], $0x80, s10, s15, $0xb8;
	[tilespmem:$0x1E400] =	vst v63  }
0x31: {  	_ =	swait.ge [sflag:s13], $0x2000  }
0x32: {  	[sflag:s13] =	ssyncset.done $0x0  }
0x33: {  	[sflag:s13] =	ssyncadd.s32 $0xFFFFE000  }
0x34: {  	_ =	swait.ge [sflag:s23], $0x2000  }
0x35: {  	[sflag:s23] =	ssyncset.done $0x0  }
0x36: {  	s7 =	simm.s32 $0x200;
	[sflag:s23] =	ssyncadd.s32 $0xFFFFE000  }
0x37: {  	[tilespmem:s16], [sflag:$0x1] =	stream.indirect.gather [hbm4b:s1+s15], $0x80, s7, s15, $0xb8;
	[tilespmem:$0x1E400] =	vst v63  }
0x38: {  	s10 =	simm.s32 $0x1480  }
0x39: {  	[spmem:s2] =	stream.indirect.scatter.add.f32 [tilespmem:s18], [sflag:$0x5], $0x80, s10, s15, $0xb8;
	[tilespmem:$0x1E400] =	vst v63  }
0x3a: {  	_ =	swait.ge [sflag:s13], $0x2000  }
0x3b: {  	[sflag:s13] =	ssyncset.done $0x0  }
0x3c: {  	[sflag:s13] =	ssyncadd.s32 $0xFFFFE000  }
0x3d: {  	_ =	swait.ge [sflag:s24], $0x2000  }
0x3e: {  	[sflag:s24] =	ssyncset.done $0x0  }
0x3f: {  	s7 =	simm.s32 $0x280;
	[sflag:s24] =	ssyncadd.s32 $0xFFFFE000  }
0x40: {  	[tilespmem:s18], [sflag:$0x2] =	stream.indirect.gather [hbm4b:s1+s15], $0x80, s7, s15, $0xb8;
	[tilespmem:$0x1E400] =	vst v63  }
0x41: {  	s10 =	simm.s32 $0x1500  }
0x42: {  	[spmem:s2] =	stream.indirect.scatter.add.f32 [tilespmem:s20], [sflag:$0x5], $0x80, s10, s15, $0xb8;
	[tilespmem:$0x1E400] =	vst v63  }
0x43: {  	_ =	swait.ge [sflag:s13], $0x2000  }
0x44: {  	[sflag:s13] =	ssyncset.done $0x0  }
0x45: {  	[sflag:s13] =	ssyncadd.s32 $0xFFFFE000  }
0x46: {  	_ =	swait.ge [sflag:s25], $0x2000  }
0x47: {  	[sflag:s25] =	ssyncset.done $0x0  }
0x48: {  	s7 =	simm.s32 $0x300;
	[sflag:s25] =	ssyncadd.s32 $0xFFFFE000  }
0x49: {  	[tilespmem:s20], [sflag:$0x3] =	stream.indirect.gather [hbm4b:s1+s15], $0x80, s7, s15, $0xb8;
	[tilespmem:$0x1E400] =	vst v63  }
0x4a: {  	s10 =	simm.s32 $0x1580  }
0x4b: {  	[spmem:s2] =	stream.indirect.scatter.add.f32 [tilespmem:s22], [sflag:$0x5], $0x80, s10, s15, $0xb8;
	[tilespmem:$0x1E400] =	vst v63  }
0x4c: {  	_ =	swait.ge [sflag:s13], $0x2000  }
0x4d: {  	s3 =	simm.s32 $0x800;
	[sflag:s13] =	ssyncset.done $0x0  }
.LBB2_3:
0x4e: {  	p0 =	sne.s32 s3, $0x4000  }
0x4f: {  	[sflag:s13] =	ssyncadd.s32 $0xFFFFE000;
	s7 =	smov.u32 s3;
	s3 =	sadd.s32 $0x800, s3  }
0x50: {  	_ = 	snop  }
0x51: {  	_ =	swait.ge [sflag:s21], $0x2000  }
0x52: {  	s7 =	sshra.s32 s7, $0x2;
	[sflag:s21] =	ssyncset.done $0x0  }
0x53: {  	s10 =	sadd.s32 $0x180, s7;
	[sflag:s21] =	ssyncadd.s32 $0xFFFFE000  }
0x54: {  	[tilespmem:s22], [sflag:$0x4] =	stream.indirect.gather [hbm4b:s1+s15], $0x80, s10, s15, $0xb8;
	[tilespmem:$0x1E400] =	vst v63  }
0x55: {  	s10 =	sadd.s32 $0x1400, s7  }
0x56: {  	[spmem:s2] =	stream.indirect.scatter.add.f32 [tilespmem:s16], [sflag:$0x5], $0x80, s10, s15, $0xb8;
	[tilespmem:$0x1E400] =	vst v63  }
0x57: {  	_ =	swait.ge [sflag:s13], $0x2000  }
0x58: {  	[sflag:s13] =	ssyncset.done $0x0  }
0x59: {  	[sflag:s13] =	ssyncadd.s32 $0xFFFFE000  }
0x5a: {  	_ =	swait.ge [sflag:s23], $0x2000  }
0x5b: {  	[sflag:s23] =	ssyncset.done $0x0  }
0x5c: {  	s10 =	sadd.s32 $0x200, s7;
	[sflag:s23] =	ssyncadd.s32 $0xFFFFE000  }
0x5d: {  	[tilespmem:s16], [sflag:$0x1] =	stream.indirect.gather [hbm4b:s1+s15], $0x80, s10, s15, $0xb8;
	[tilespmem:$0x1E400] =	vst v63  }
0x5e: {  	s10 =	sadd.s32 $0x1480, s7  }
0x5f: {  	[spmem:s2] =	stream.indirect.scatter.add.f32 [tilespmem:s18], [sflag:$0x5], $0x80, s10, s15, $0xb8;
	[tilespmem:$0x1E400] =	vst v63  }
0x60: {  	_ =	swait.ge [sflag:s13], $0x2000  }
0x61: {  	[sflag:s13] =	ssyncset.done $0x0  }
0x62: {  	[sflag:s13] =	ssyncadd.s32 $0xFFFFE000  }
0x63: {  	_ =	swait.ge [sflag:s24], $0x2000  }
0x64: {  	[sflag:s24] =	ssyncset.done $0x0  }
0x65: {  	s10 =	sadd.s32 $0x280, s7;
	[sflag:s24] =	ssyncadd.s32 $0xFFFFE000  }
0x66: {  	[tilespmem:s18], [sflag:$0x2] =	stream.indirect.gather [hbm4b:s1+s15], $0x80, s10, s15, $0xb8;
	[tilespmem:$0x1E400] =	vst v63  }
0x67: {  	s10 =	sadd.s32 $0x1500, s7  }
0x68: {  	[spmem:s2] =	stream.indirect.scatter.add.f32 [tilespmem:s20], [sflag:$0x5], $0x80, s10, s15, $0xb8;
	[tilespmem:$0x1E400] =	vst v63  }
0x69: {  	_ =	swait.ge [sflag:s13], $0x2000  }
0x6a: {  	[sflag:s13] =	ssyncset.done $0x0  }
0x6b: {  	[sflag:s13] =	ssyncadd.s32 $0xFFFFE000  }
0x6c: {  	_ =	swait.ge [sflag:s25], $0x2000  }
0x6d: {  	[sflag:s25] =	ssyncset.done $0x0  }
0x6e: {  	s10 =	sadd.s32 $0x300, s7;
	[sflag:s25] =	ssyncadd.s32 $0xFFFFE000  }
0x6f: {  	[tilespmem:s20], [sflag:$0x3] =	stream.indirect.gather [hbm4b:s1+s15], $0x80, s10, s15, $0xb8;
	[tilespmem:$0x1E400] =	vst v63  }
.Ltmp0:
0x70: {  	_ = 	snop;
	(pc) =	sbr.rel @p0 .LBB2_3-.Ltmp0, $4  }
0x71: {  	s7 =	sadd.s32 $0x1580, s7  }
0x72: {  	[spmem:s2] =	stream.indirect.scatter.add.f32 [tilespmem:s22], [sflag:$0x5], $0x80, s7, s15, $0xb8;
	[tilespmem:$0x1E400] =	vst v63  }
0x73: {  	_ =	swait.ge [sflag:s13], $0x2000  }
0x74: {  	[sflag:s13] =	ssyncset.done $0x0  }
0x75: {  	[sflag:s13] =	ssyncadd.s32 $0xFFFFE000  }
0x76: {  	_ =	swait.ge [sflag:s21], $0x2000  }
0x77: {  	[sflag:s21] =	ssyncset.done $0x0  }
0x78: {  	[sflag:s21] =	ssyncadd.s32 $0xFFFFE000  }
0x79: {  	[tilespmem:s22], [sflag:$0x4] =	stream.indirect.gather [hbm4b:s1+s15], $0x80, s26, s15, $0xb8;
	[tilespmem:$0x1E400] =	vst v63  }
0x7a: {  	_ = 	snop  }
0x7b: {  	[spmem:s2] =	stream.indirect.scatter.add.f32 [tilespmem:s16], [sflag:$0x5], $0x80, s28, s15, $0xb8;
	[tilespmem:$0x1E400] =	vst v63  }
0x7c: {  	_ =	swait.ge [sflag:s13], $0x2000  }
0x7d: {  	[sflag:s13] =	ssyncset.done $0x0  }
0x7e: {  	[sflag:s13] =	ssyncadd.s32 $0xFFFFE000  }
0x7f: {  	_ =	swait.ge [sflag:s23], $0x2000  }
0x80: {  	[sflag:s23] =	ssyncset.done $0x0  }
0x81: {  	[sflag:s23] =	ssyncadd.s32 $0xFFFFE000  }
0x82: {  	[spmem:s2] =	stream.indirect.scatter.add.f32 [tilespmem:s18], [sflag:$0x5], $0x80, s29, s15, $0xb8;
	[tilespmem:$0x1E400] =	vst v63  }
0x83: {  	_ =	swait.ge [sflag:s13], $0x2000  }
0x84: {  	[sflag:s13] =	ssyncset.done $0x0  }
0x85: {  	[sflag:s13] =	ssyncadd.s32 $0xFFFFE000  }
0x86: {  	_ =	swait.ge [sflag:s24], $0x2000  }
0x87: {  	[sflag:s24] =	ssyncset.done $0x0  }
0x88: {  	[sflag:s24] =	ssyncadd.s32 $0xFFFFE000  }
0x89: {  	[spmem:s2] =	stream.indirect.scatter.add.f32 [tilespmem:s20], [sflag:$0x5], $0x80, s30, s15, $0xb8;
	[tilespmem:$0x1E400] =	vst v63  }
0x8a: {  	_ =	swait.ge [sflag:s13], $0x2000  }
0x8b: {  	[sflag:s13] =	ssyncset.done $0x0  }
0x8c: {  	[sflag:s13] =	ssyncadd.s32 $0xFFFFE000  }
0x8d: {  	s0 =	sadd.s32 $0x1, s0;
	_ =	swait.ge [sflag:s25], $0x2000  }
0x8e: {  	p0 =	sne.s32 s0, $0x4;
	[sflag:s25] =	ssyncset.done $0x0  }
.Ltmp1:
0x8f: {  	[sflag:s25] =	ssyncadd.s32 $0xFFFFE000;
	(pc) =	sbr.rel @p0 .LBB2_2-.Ltmp1, $4  }
0x90: {  	[spmem:s2] =	stream.indirect.scatter.add.f32 [tilespmem:s22], [sflag:$0x5], $0x80, s31, s15, $0xb8;
	[tilespmem:$0x1E400] =	vst v63  }
0x91: {  	_ =	swait.ge [sflag:s13], $0x2000  }
0x92: {  	[sflag:s13] =	ssyncset.done $0x0  }
0x93: {  	[sflag:s13] =	ssyncadd.s32 $0xFFFFE000  }
0x94: {  	s4 =	sadd.s32 $0x1, s4  }
0x95: {  	[bflag:$0x0] =	sbarrier.arrive $0xFFFF;
	p0 =	sne.s32 s4, s11  }
.Ltmp2:
0x96: {  	s0 =	rddreg [dreg:$0x5];
	(pc) =	sbr.rel @p0 .LBB2_1-.Ltmp2, $4  }
0x97: {  	[hbm:s0], [sflag:s8] =	dma.local [spmem:s12], $0x2780  }
0x98: {  	_ =	swait.ge [sflag:s13], $0x2780  }
0x99: {  	[sflag:s13] =	ssyncset.done $0x0  }
0x9a: {  	[sflag:s13] =	ssyncadd.s32 $0xFFFFD880  }
0x9b: {  	_ =	sfence.sel $0x180000  }
0x9c: {  	[bflag:$0x0] =	sbarrier.arrive $0xFFFF  }
0x9d: {  	_ =	strace $0x9000004D  }
0x9e: {  	s0 =	stileid.u32;
	[bflag:$0x2] =	sbarrier.arrive $0xFFFF  }
0x9f: {  	p0 =	sne.s32 s0, $0x0;
	s0 =	rddreg [dreg:$0x3]  }
0xa0: {  	s0 =	sadd.s32 @!p0 $0x100000, s0  }
0xa1: {  	[sflag:s0] =	ssyncadd.tile.s32 @!p0 $0x1;
	_ =	shalt  }
.Lfunc_end2:
_tile_overlayer_lowered:
.L_overlay_start_2:
0xa2: {  	(tag) =	ssettag $0x2  }
0xa3: {  	s0 =	rddreg [dreg:$0x0];
	s2 =	stileid.u32  }
0xa4: {  	s1 =	rddreg [dreg:$0x1];
	p0 =	sne.s32 s2, $0x0  }
0xa5: {  	s3 =	rddreg [dreg:$0x2];
	[bflag:$0x3] =	sbarrier.arrive $0xFFFF;
	s2 =	simm.s32 @!p0 $0x1C05  }
0xa6: {  	[timem:s3], [sflag:s2] =	dma.local @!p0 [hbm:s0], s1  }
0xa7: {  	s0 =	simm.s32 @!p0 $0x5  }
0xa8: {  	_ =	swait.ge @!p0 [sflag:s0], s1  }
0xa9: {  	s1 =	ssub.s32 @!p0 $0x0, s1;
	[sflag:s0] =	ssyncset.done @!p0 $0x0  }
0xaa: {  	[sflag:s0] =	ssyncadd.s32 @!p0 s1  }
0xab: {  	[bflag:$0x3] =	sbarrier.arrive $0xFFFF  }
0xac: {  	_ =	shalt  }

// kernel: kernel.8.cloned.1.call-start
scs
__scs_entry_jumppad:
0x0: {  	(pc) =	sbr.rel $0x88, $3  }
0x1: {  	(tag) =	ssettag $0x0;
	lr =	simm.s32 $0x1  }
0x2: {  	[smem:$0x3F9B] =	sst lr;
	_ =	strace $0xD0000000  }
0x3: {  	_ = 	snop  }
0x4: {  	_ = 	snop  }
0x5: {  	_ = 	snop  }
0x6: {  	_ = 	snop  }
0x7: {  	_ = 	snop  }
__scs_overlays_trampoline_lowered:
0x8: {  	[smem:$0x3FAA] =	sst s0  }
0x9: {  	[smem:$0x3FAB] =	sst s1  }
0xa: {  	[smem:$0x3FAC] =	sst s2  }
0xb: {  	[smem:$0x3FAD] =	sst s3  }
0xc: {  	[smem:$0x3FAE] =	sst s4  }
0xd: {  	[smem:$0x3FAF] =	sst s5  }
0xe: {  	[smem:$0x3FB0] =	sst s6  }
0xf: {  	[smem:$0x3FB1] =	sst s7  }
0x10: {  	[smem:$0x3FB2] =	sst s8  }
0x11: {  	[smem:$0x3FB3] =	sst s9;
	s0 =	simm.s32 @!p0 $0x0  }
0x12: {  	s1 =	sld [smem:$0x3F99];
	s0 =	simm.s32 @p0 $0x1  }
0x13: {  	[smem:$0x3FB4] =	sst s0;
	s0 =	simm.s32 @!p1 $0x0  }
0x14: {  	s2 =	sld [smem:$0x3F98];
	s0 =	simm.s32 @p1 $0x1  }
0x15: {  	[smem:$0x3FB5] =	sst s0;
	s0 =	simm.s32 @!p2 $0x0  }
0x16: {  	s3 =	sld [smem:$0x3FDB];
	s0 =	simm.s32 @p2 $0x1  }
0x17: {  	s4 =	simm.s32 $0x1BF5;
	[smem:$0x3FB7] =	sst s0  }
0x18: {  	s0 =	sld [smem:$0x3F9A];
	_ =	swait.ge [sflag:s4], $0x0  }
0x19: {  	s7 =	sld [smem:$0x3F9B]  }
0x1a: {  	s8 =	sadd.s32 $0xFFFFE003, lr  }
0x1b: {  	s9 =	sadd.s32 $0xFFFFFEF7, lr;
	s5 =	simm.s32 $0xFFFFFFFF;
	p2 =	slt.u32 s8, $0xFFFFF086  }
0x1c: {  	p1 =	slt.u32 s9, $0xF7A;
	s5 =	simm.s32 @!p2 $0x0  }
0x1d: {  	s5 =	simm.s32 @p1 $0x1;
	p0 =	seq.s32 s7, s2  }
0x1e: {  	s7 =	smul.u32 @!p0 $0xF7A, s2;
	p2 =	seq.s32 @!p0 s5, $0x0  }
0x1f: {  	s9 =	smul.u32 $0xF7A, s1;
	s8 =	simm.s32 @!p0 $0x1BF5;
	p2 =	por !p2, p0  }
0x20: {  	[sflag:s8] =	ssyncset.s32 @!p0 $0xFFFFF086;
	s6 =	sadd.s32 @!p0 s3, s7;
	s7 =	simm.s32 @!p0 $0x108  }
0x21: {  	s3 =	sadd.s32 s3, s9;
	s6 =	sadd.s32 @!p0 $0x88, s6;
	s7 =	simm.s32 @p2 $0x1082  }
0x22: {  	[simem:s7], [sflag:s8] =	dma.local @!p0 [hbm:s6], $0xF7A  }
0x23: {  	s9 =	sor.u32 $0xD0000000, s2;
	s6 =	simm.s32 $0x108;
	_ =	swait.ge @!p0 [sflag:s8], $0x0  }
0x24: {  	s3 =	sadd.s32 $0x88, s3;
	s6 =	simm.s32 @!p1 $0x1082;
	[sflag:s4] =	ssyncset.s32 $0xFFFFF086  }
0x25: {  	[simem:s6], [sflag:s4] =	dma.local [hbm:s3], $0xF7A  }
0x26: {  	[smem:$0x3F9B] =	sst s1;
	(tag) =	ssettag s2;
	_ =	strace s9  }
0x27: {  	s1 =	sld [smem:$0x3FAB]  }
0x28: {  	s2 =	sld [smem:$0x3FAC]  }
0x29: {  	s4 =	sld [smem:$0x3FAE]  }
0x2a: {  	p0 =	seq.s32 s5, $0x0;
	s5 =	sld [smem:$0x3FAF]  }
0x2b: {  	s6 =	sld [smem:$0x3FB0]  }
0x2c: {  	s7 =	sld [smem:$0x3FB1]  }
0x2d: {  	s3 =	simm.s32 $0x108;
	s8 =	sld [smem:$0x3FB2]  }
0x2e: {  	s3 =	simm.s32 @!p0 $0x1082;
	s9 =	sld [smem:$0x3FB3]  }
0x2f: {  	lr =	sadd.s32 s0, s3;
	s0 =	sld [smem:$0x3FAA]  }
0x30: {  	s3 =	sld [smem:$0x3FAD]  }
0x31: {  	[smem:$0x3FB6] =	sst s10  }
0x32: {  	s10 =	sld [smem:$0x3FB4];
	_ =	sdelay $0x3  }
0x33: {  	p0 =	seq.s32 s10, $0x1;
	s10 =	sld [smem:$0x3FB6];
	_ =	sdelay $0x3  }
0x34: {  	[smem:$0x3FB6] =	sst s10  }
0x35: {  	s10 =	sld [smem:$0x3FB5];
	_ =	sdelay $0x3  }
0x36: {  	p1 =	seq.s32 s10, $0x1;
	s10 =	sld [smem:$0x3FB6];
	_ =	sdelay $0x3  }
0x37: {  	[smem:$0x3FB6] =	sst s10  }
0x38: {  	s10 =	sld [smem:$0x3FB7]  }
0x39: {  	_ = 	snop;
	(pc) =	sbr.ind lr, $3  }
0x3a: {  	_ = 	snop  }
0x3b: {  	_ = 	snop  }
0x3c: {  	p2 =	seq.s32 s10, $0x1;
	s10 =	sld [smem:$0x3FB6]  }
0x3d: {  	_ =	shalt  }
0x3e: {  	_ =	shalt  }
0x3f: {  	_ =	shalt  }
0x40: {  	_ =	shalt  }
0x41: {  	_ =	shalt  }
0x42: {  	_ =	shalt  }
0x43: {  	_ =	shalt  }
0x44: {  	_ =	shalt  }
0x45: {  	_ =	shalt  }
0x46: {  	_ =	shalt  }
0x47: {  	_ =	shalt  }
0x48: {  	_ =	shalt  }
0x49: {  	_ =	shalt  }
0x4a: {  	_ =	shalt  }
0x4b: {  	_ =	shalt  }
0x4c: {  	_ =	shalt  }
0x4d: {  	_ =	shalt  }
0x4e: {  	_ =	shalt  }
0x4f: {  	_ =	shalt  }
0x50: {  	_ =	shalt  }
0x51: {  	_ =	shalt  }
0x52: {  	_ =	shalt  }
0x53: {  	_ =	shalt  }
0x54: {  	_ =	shalt  }
0x55: {  	_ =	shalt  }
0x56: {  	_ =	shalt  }
0x57: {  	_ =	shalt  }
0x58: {  	_ =	shalt  }
0x59: {  	_ =	shalt  }
0x5a: {  	_ =	shalt  }
0x5b: {  	_ =	shalt  }
0x5c: {  	_ =	shalt  }
0x5d: {  	_ =	shalt  }
0x5e: {  	_ =	shalt  }
0x5f: {  	_ =	shalt  }
0x60: {  	_ =	shalt  }
0x61: {  	_ =	shalt  }
0x62: {  	_ =	shalt  }
0x63: {  	_ =	shalt  }
0x64: {  	_ =	shalt  }
0x65: {  	_ =	shalt  }
0x66: {  	_ =	shalt  }
0x67: {  	_ =	shalt  }
0x68: {  	_ =	shalt  }
0x69: {  	_ =	shalt  }
0x6a: {  	_ =	shalt  }
0x6b: {  	_ =	shalt  }
0x6c: {  	_ =	shalt  }
0x6d: {  	_ =	shalt  }
0x6e: {  	_ =	shalt  }
0x6f: {  	_ =	shalt  }
0x70: {  	_ =	shalt  }
0x71: {  	_ =	shalt  }
0x72: {  	_ =	shalt  }
0x73: {  	_ =	shalt  }
0x74: {  	_ =	shalt  }
0x75: {  	_ =	shalt  }
0x76: {  	_ =	shalt  }
0x77: {  	_ =	shalt  }
0x78: {  	_ =	shalt  }
0x79: {  	_ =	shalt  }
0x7a: {  	_ =	shalt  }
0x7b: {  	_ =	shalt  }
0x7c: {  	_ =	shalt  }
0x7d: {  	_ =	shalt  }
0x7e: {  	_ =	shalt  }
0x7f: {  	_ =	shalt  }
0x80: {  	_ =	shalt  }
0x81: {  	_ =	shalt  }
0x82: {  	_ =	shalt  }
0x83: {  	_ =	shalt  }
0x84: {  	_ =	shalt  }
0x85: {  	_ =	shalt  }
0x86: {  	_ =	shalt  }
0x87: {  	_ =	shalt  }
.Lfunc_end0:
.L_simem_size_0:
called_computation_lowered:
.L_overlay_start_0:
0x88: {  	s2 =	sld [smem:$0x3FD9]  }
0x89: {  	s3 =	sld [smem:$0x3FFE];
	_ =	sdelay $0x1  }
0x8a: {  	s1 =	srdreg.scid  }
0x8b: {  	s0 =	sand.u32 $0x1, s1  }
0x8c: {  	s17 =	sshll.u32 s0, $0xA;
	s2 =	sadd.s32 s3, s2  }
0x8d: {  	s2 =	sadd.s32 s2, s17  }
0x8e: {  	[smem:$0x3FC2] =	sst s2  }
0x8f: {  	_ = 	snop  }
0x90: {  	s2 =	sld [smem:$0x3FD0];
	(tm) =	ssettm $0x1  }
0x91: {  	s18 =	sld [smem:$0x3FFB];
	_ =	sdelay $0x3  }
0x92: {  	_ =	strace s18  }
0x93: {  	s3 =	sld [smem:$0x3FFC];
	_ =	sdelay $0x3  }
0x94: {  	_ =	strace s3  }
0x95: {  	s3 =	sld [smem:$0x3FFD];
	_ =	sdelay $0x3  }
0x96: {  	_ =	strace s3  }
0x97: {  	_ =	strace $0x8FFFFFFF  }
0x98: {  	s19 =	sld [smem:$0x3FDB];
	_ =	sdelay $0x1  }
0x99: {  	s4 =	simm.s32 $_scs_section_size  }
0x9a: {  	s5 =	simm.s32 $_size__tile_overlayer_lowered;
	s6 =	simm.s32 $_tile_overlayer_lowered  }
0x9b: {  	s22 =	simm.s32 $0x1BFF;
	s21 =	sshll.u32 s6, $0x1;
	s3 =	sadd.s32 s4, s19  }
0x9c: {  	s7 =	simm.s32 $0x0;
	s20 =	sshll.u32 s5, $0x1;
	s5 =	sadd.s32 s21, s3  }
0x9d: {  	[timem:s7], [sflag:s22] =	dma.local [hbm:s5], s20  }
0x9e: {  	_ =	swait.ge [sflag:s22], s20  }
0x9f: {  	s4 =	ssub.s32 $0x0, s20;
	[sflag:s22] =	ssyncset.done $0x0  }
0xa0: {  	[sflag:s22] =	ssyncadd.s32 s4;
	_ =	sdelay $0x1  }
0xa1: {  	s23 =	simm.s32 $0x1B8B  }
0xa2: {  	_ =	swait.ge [sflag:s23], $0x1  }
0xa3: {  	[sflag:s23] =	ssyncset.done $0x0  }
0xa4: {  	s25 =	simm.s32 $0x1B8E;
	s24 =	sld [smem:$0x3FFE];
	[sflag:s23] =	ssyncadd.s32 $0xFFFFFFFF  }
0xa5: {  	s26 =	simm.s32 $execute0_lowered;
	[smem:$0x3FD2] =	sst s25  }
0xa6: {  	s5 =	sshll.u32 s26, $0x1;
	_ =	strace $0x80000046;
	[dreg:$0x1] =	wrdreg $0xFFFFFFFF  }
0xa7: {  	s28 =	simm.s32 $_size_execute0_lowered;
	s3 =	sadd.s32 s3, s5;
	[dreg:$0x0] =	wrdreg $0x0  }
0xa8: {  	s5 =	sshll.u32 s28, $0x1;
	[dreg:$0x2] =	wrdreg s3  }
0xa9: {  	[dreg:$0x3] =	wrdreg s5  }
0xaa: {  	[dreg:$0x4] =	wrdreg $0xC0  }
0xab: {  	_ =	task [dreg:s7], $0x5FFFF  }
0xac: {  	[dreg:$0x1] =	wrdreg $0xFFFFFFFF  }
0xad: {  	[dreg:$0x0] =	wrdreg $0x60  }
0xae: {  	[dreg:$0x2] =	wrdreg s2  }
0xaf: {  	[dreg:$0x3] =	wrdreg s24  }
0xb0: {  	[dreg:$0x4] =	wrdreg $0x90000  }
0xb1: {  	[dreg:$0x5] =	wrdreg $0x9  }
0xb2: {  	_ =	task.clear_ibuf [dreg:s7], $0x6FFFF;
	_ =	strace $0x90000046  }
0xb3: {  	s29 =	simm.s32 $0x9;
	_ =	strace $0x80000048  }
0xb4: {  	_ =	swait.ge [sflag:s29], $0x1  }
0xb5: {  	[sflag:s29] =	ssyncadd.s32 $0xFFFFFFFF  }
0xb6: {  	_ =	strace $0x90000048  }
0xb7: {  	_ =	sfence  }
0xb8: {  	s30 =	sld [smem:$0x0];
	_ =	sdelay $0x2  }
0xb9: {  	s31 =	sshll.u32 s1, $0xD;
	s1 =	sshrl.u32 s1, $0x2  }
0xba: {  	s3 =	sand.u32 $0x4000, s31;
	s1 =	sadd.s32 s1, s30  }
0xbb: {  	s0 =	sor.u32 s3, s0;
	s1 =	sshll.u32 s1, $0x11  }
0xbc: {  	s0 =	sor.u32 s1, s0  }
0xbd: {  	s0 =	sadd.s32 $0x8F2B, s0  }
0xbe: {  	[sflag:s0] =	ssyncadd.remote.s32 $0x1  }
0xbf: {  	_ =	sfence.sel $0xFFFF  }
0xc0: {  	[dreg:$0x0] =	wrdreg $0xFFFFFFFF;
	(pc) =	sbr.abs _section_cstart, $3  }
0xc1: {  	[dreg:$0x1] =	wrdreg $0xFFFFFFFF  }
0xc2: {  	_ =	task.clear_ibuf [dreg:s7], $0x2FFFF;
	_ =	strace $0x9FFFFFFF  }
0xc3: {  	(tm) =	ssettm $0x7FFFFFFF  }
tec
execute0_lowered:
.L_overlay_start_1:
0x0: {  	(tag) =	ssettag $0x1  }
0x1: {  	s7 =	rddreg [dreg:$0x0]  }
0x2: {  	s6 =	rddreg [dreg:$0x1];
	s2 =	srdreg.scid  }
0x3: {  	s1 =	rddreg [dreg:$0x2];
	s5 =	sand.u32 $0x1, s2  }
0x4: {  	s2 =	stileid.u32;
	s8 =	smul.u32 $0x13C000, s5  }
0x5: {  	s0 =	rddreg [dreg:$0x3];
	s3 =	simm.s32 $0x0;
	s9 =	smul.u32 $0x13C00, s2  }
0x6: {  	s13 =	simm.s32 $0x80;
	s14 =	simm.s32 $0x0;
	s10 =	smul.u32 $0x4F000, s2  }
0x7: {  	[smem:$0x7FF] =	sst s3;
	s4 =	sadd.s32 $0x2600, s6;
	s28 =	smul.u32 $0x50000, s5  }
0x8: {  	_ =	strace $0x80000047;
	s11 =	ssub.s32 $0x2, s5;
	s12 =	smul.u32 $0x5000, s2  }
0x9: {  	s5 =	sadd.s32 $0x1E00, s6;
	s31 =	sshll.u32 s2, $0x6;
	s29 =	sshrl.u32 s11, $0x1  }
0xa: {  	s8 =	sadd.s32 s9, s8;
	s11 =	ssub.s32 s11, s29;
	s30 =	sshrl.u32 s10, $0x2  }
0xb: {  	s9 =	sadd.s32 s12, s28;
	s12 =	simm.s32 $0x5000;
	s8 =	sshrl.u32 s8, $0x3  }
0xc: {  	s10 =	sadd.s32 s30, s1;
	s9 =	sshrl.u32 s9, $0x3;
	s8 =	sadd.s32 s8, s6  }
0xd: {  	s6 =	sor.u32 $0x1C01, s31;
	s7 =	sadd.s32 s7, s9;
	s9 =	smax.u32 s11, $0x1  }
0xe: {  	s10 =	sshrl.u32 s10, $0x3;
	s11 =	simm.s32 $0x1;
	s8 =	sadd.s32 $0x4E00, s8  }
.LBB2_1:
0xf: {  	[spmem:s10], [sflag:s6] =	dma.local [hbm:s4], $0x2780  }
0x10: {  	_ =	swait.ge [sflag:s11], $0x2780  }
0x11: {  	[sflag:s11] =	ssyncset.done $0x0  }
0x12: {  	[sflag:s11] =	ssyncadd.s32 $0xFFFFD880  }
0x13: {  	[tilespmem:s12], [sflag:$0x1] =	stream.linear.gather [hbm4b:s5+s3], $0x4000, $0x38;
	[tilespmem:$0x1CC00] =	vst v63  }
0x14: {  	_ =	swait.ge [sflag:s11], $0x4000  }
0x15: {  	[sflag:s11] =	ssyncset.done $0x0  }
0x16: {  	[sflag:s11] =	ssyncadd.s32 $0xFFFFC000  }
0x17: {  	[tilespmem:s3], [sflag:$0x1] =	stream.linear.gather [hbm4b:s7+s3], $0x5000, $0x38;
	[tilespmem:$0x1CC00] =	vst v63  }
0x18: {  	_ =	swait.ge [sflag:s11], $0x5000  }
0x19: {  	[sflag:s11] =	ssyncset.done $0x0  }
0x1a: {  	[sflag:s11] =	ssyncadd.s32 $0xFFFFB000  }
0x1b: {  	s15 =	simm.s32 $0x0;
	[bflag:$0x0] =	sbarrier.arrive $0xFFFF  }
0x1c: {  	[spmem:s1] =	stream.indirect.scatter.add.f32 [tilespmem:s12], [sflag:$0x1], $0x80, s15, s13, $0xb8;
	[tilespmem:$0x1CC00] =	vst v63  }
0x1d: {  	_ =	swait.ge [sflag:s11], $0x4000  }
0x1e: {  	s15 =	simm.s32 $0x200;
	[sflag:s11] =	ssyncset.done $0x0  }
.LBB2_2:
0x1f: {  	s16 =	sshra.s32 s15, $0x2;
	[sflag:s11] =	ssyncadd.s32 $0xFFFFC000;
	p0 =	sne.s32 s15, $0x13E00  }
0x20: {  	[spmem:s1] =	stream.indirect.scatter.add.f32 [tilespmem:s12], [sflag:$0x1], $0x80, s16, s13, $0xb8;
	[tilespmem:$0x1CC00] =	vst v63  }
.Ltmp0:
0x21: {  	_ = 	snop;
	(pc) =	sbr.rel @p0 .LBB2_2-.Ltmp0, $4  }
0x22: {  	_ = 	snop  }
0x23: {  	s15 =	sadd.s32 $0x200, s15  }
0x24: {  	_ =	swait.ge [sflag:s11], $0x4000  }
0x25: {  	[sflag:s11] =	ssyncset.done $0x0  }
0x26: {  	s14 =	sadd.s32 $0x1, s14  }
0x27: {  	[sflag:s11] =	ssyncadd.s32 $0xFFFFC000;
	p0 =	sne.s32 s14, s9  }
.Ltmp1:
0x28: {  	[bflag:$0x0] =	sbarrier.arrive $0xFFFF;
	(pc) =	sbr.rel @p0 .LBB2_1-.Ltmp1, $4  }
0x29: {  	[hbm:s8], [sflag:s6] =	dma.local [spmem:s10], $0x2780  }
0x2a: {  	_ =	swait.ge [sflag:s11], $0x2780  }
0x2b: {  	[sflag:s11] =	ssyncset.done $0x0  }
0x2c: {  	[sflag:s11] =	ssyncadd.s32 $0xFFFFD880  }
0x2d: {  	_ =	sfence.sel $0x180000  }
0x2e: {  	[bflag:$0x0] =	sbarrier.arrive $0xFFFF  }
0x2f: {  	p0 =	sne.s32 s2, $0x0;
	_ =	strace $0x90000047  }
0x30: {  	s0 =	sadd.s32 @!p0 $0x100000, s0;
	[bflag:$0x2] =	sbarrier.arrive $0xFFFF  }
0x31: {  	[sflag:s0] =	ssyncadd.tile.s32 @!p0 $0x1;
	_ =	shalt  }
.Lfunc_end2:
_tile_overlayer_lowered:
.L_overlay_start_2:
0x32: {  	(tag) =	ssettag $0x2  }
0x33: {  	s0 =	rddreg [dreg:$0x0];
	s2 =	stileid.u32  }
0x34: {  	s1 =	rddreg [dreg:$0x1];
	p0 =	sne.s32 s2, $0x0  }
0x35: {  	s3 =	rddreg [dreg:$0x2];
	[bflag:$0x3] =	sbarrier.arrive $0xFFFF;
	s2 =	simm.s32 @!p0 $0x1C01  }
0x36: {  	[timem:s3], [sflag:s2] =	dma.local @!p0 [hbm:s0], s1  }
0x37: {  	s0 =	simm.s32 @!p0 $0x1  }
0x38: {  	_ =	swait.ge @!p0 [sflag:s0], s1  }
0x39: {  	s1 =	ssub.s32 @!p0 $0x0, s1;
	[sflag:s0] =	ssyncset.done @!p0 $0x0  }
0x3a: {  	[sflag:s0] =	ssyncadd.s32 @!p0 s1  }
0x3b: {  	[bflag:$0x3] =	sbarrier.arrive $0xFFFF  }
0x3c: {  	_ =	shalt  }

</sc_bundles>
